<compile_context>
chip_gen: v7x
topology: tpu7x:2x2x1
jax: 0.10.2.dev20260603
libtpu: 0.0.44.dev20260713+nightly
codegen_flags: <defaults>
</compile_context>

<pallas_src>
import functools

import jax
import jax.numpy as jnp
from jax import lax
from jax.experimental import pallas as pl
from jax.experimental.pallas import tpu as pltpu
from jax.experimental.pallas import tpu_sc as plsc

N0, N1, N2 = 50000, 12500, 3125
N0P, N1P, N2P = 50176, 12544, 3200
NW = 32


def _sc_gather(table, idx3d, b_pad, d, n_chunks, chunk, table_rows):
    b_per_w = n_chunks * chunk
    rpt = table_rows // 16
    mesh = plsc.VectorSubcoreMesh(core_axis_name="c", subcore_axis_name="s")

    @functools.partial(
        pl.kernel,
        mesh=mesh,
        out_type=jax.ShapeDtypeStruct((b_pad, d), jnp.float32),
        compiler_params=pltpu.CompilerParams(use_tc_tiling_on_sc=True),
        scratch_types=[
            pltpu.VMEM((n_chunks, chunk), jnp.int32),
            pltpu.VMEM((b_per_w, d), jnp.float32),
            pltpu.VMEM_SHARED((table_rows, d), jnp.float32),
            pltpu.SemaphoreType.DMA,
        ],
    )
    def k(table_hbm, idx_hbm, out_hbm, idx_v, rows_v, table_sp, sem):
        c = lax.axis_index("c")
        s = lax.axis_index("s")
        wid = s * 2 + c
        base = wid * b_per_w
        pltpu.sync_copy(
            table_hbm.at[pl.ds(s * rpt, rpt)], table_sp.at[pl.ds(s * rpt, rpt)]
        )
        pltpu.sync_copy(idx_hbm.at[wid], idx_v)
        plsc.subcore_barrier()
        copies = []
        for j in range(n_chunks):
            copies.append(
                pltpu.async_copy(
                    table_sp.at[idx_v.at[j]],
                    rows_v.at[pl.ds(j * chunk, chunk)],
                    sem,
                )
            )
        for cp in copies:
            cp.wait()
        pltpu.sync_copy(rows_v, out_hbm.at[pl.ds(base, b_per_w)])

    return k(table, idx3d)


def _sc_gather_stream(table, idx3d, b_pad, d, n_chunks, chunk, nbuf=4):
    b_per_w = n_chunks * chunk
    mesh = plsc.VectorSubcoreMesh(core_axis_name="c", subcore_axis_name="s")

    @functools.partial(
        pl.kernel,
        mesh=mesh,
        out_type=jax.ShapeDtypeStruct((b_pad, d), jnp.float32),
        compiler_params=pltpu.CompilerParams(use_tc_tiling_on_sc=True),
        scratch_types=[
            pltpu.VMEM((n_chunks, chunk), jnp.int32),
            pltpu.VMEM((nbuf, chunk, d), jnp.float32),
            pltpu.SemaphoreType.DMA,
            pltpu.SemaphoreType.DMA,
        ],
    )
    def k(table_hbm, idx_hbm, out_hbm, idx_v, rows_v, gsem, wsem):
        wid = lax.axis_index("s") * 2 + lax.axis_index("c")
        base = wid * b_per_w
        pltpu.sync_copy(idx_hbm.at[wid], idx_v)
        gathers = []
        for j in range(min(nbuf, n_chunks)):
            gathers.append(
                pltpu.async_copy(table_hbm.at[idx_v.at[j]], rows_v.at[j % nbuf], gsem)
            )
        writes = [None] * n_chunks
        for j in range(n_chunks):
            gathers[j].wait()
            writes[j] = pltpu.async_copy(
                rows_v.at[j % nbuf],
                out_hbm.at[pl.ds(base + j * chunk, chunk)],
                wsem,
            )
            nxt = j + nbuf
            if nxt < n_chunks:
                writes[j].wait()
                gathers.append(
                    pltpu.async_copy(table_hbm.at[idx_v.at[nxt]], rows_v.at[nxt % nbuf], gsem)
                )
        for j in range(max(0, n_chunks - nbuf), n_chunks):
            writes[j].wait()

    return k(table, idx3d)


def _tc_coarse(x2, w1a):

    def body(f_ref, w_ref, o_ref):
        o_ref[...] = jnp.dot(
            f_ref[...].astype(jnp.bfloat16), w_ref[...].astype(jnp.bfloat16),
            preferred_element_type=jnp.float32)

    return pl.pallas_call(
        body,
        grid=(1,),
        in_specs=[
            pl.BlockSpec((N2P, 256), lambda i: (0, 0)),
            pl.BlockSpec((256, 128), lambda i: (0, 0)),
        ],
        out_specs=pl.BlockSpec((N2P, 128), lambda i: (0, 0)),
        out_shape=jax.ShapeDtypeStruct((N2P, 128), jnp.float32),
    )(x2, w1a)


def _tc_skip1(skip1, w1b):

    def body(s_ref, w_ref, o_ref):
        o_ref[...] = jnp.dot(
            s_ref[...].astype(jnp.bfloat16), w_ref[...].astype(jnp.bfloat16),
            preferred_element_type=jnp.float32)

    R = 3136
    return pl.pallas_call(
        body,
        grid=(N1P // R,),
        in_specs=[
            pl.BlockSpec((R, 256), lambda i: (i, 0)),
            pl.BlockSpec((256, 128), lambda i: (1, 0)),
        ],
        out_specs=pl.BlockSpec((R, 128), lambda i: (i, 0)),
        out_shape=jax.ShapeDtypeStruct((N1P, 128), jnp.float32),
        compiler_params=pltpu.CompilerParams(dimension_semantics=("arbitrary",)),
    )(skip1, w1b)


def _tc_mid(g1, s1, gamma1, beta1, w2a):

    def body(g_ref, s_ref, gm_ref, bt_ref, w2a_ref, o_ref):
        h = g_ref[...] + s_ref[...]
        rows = lax.broadcasted_iota(jnp.int32, (N1P, 128), 0)
        mask = rows < N1
        hm = jnp.where(mask, h, 0.0)
        mean = jnp.sum(hm, axis=0, keepdims=True) / N1
        var = jnp.sum(jnp.where(mask, h * h, 0.0), axis=0, keepdims=True) / N1 - mean * mean
        scale = lax.rsqrt(var + 1e-5) * gm_ref[...]
        hn = (h - mean) * scale + bt_ref[...]
        act = jnp.where(hn >= 0.0, hn, 0.1 * hn)
        o_ref[...] = jnp.dot(
            act.astype(jnp.bfloat16), w2a_ref[...].astype(jnp.bfloat16),
            preferred_element_type=jnp.float32)

    return pl.pallas_call(
        body,
        out_shape=jax.ShapeDtypeStruct((N1P, 128), jnp.float32),
    )(g1, s1, gamma1.reshape(1, 128), beta1.reshape(1, 128),
      jnp.pad(w2a, ((0, 0), (0, 64))))


def _tc_skip0(skip0, w2b, b2):
    R = 6272
    nb = (N0 + R - 1) // R

    def body(s_ref, w_ref, b_ref, o_ref):
        o_ref[...] = (
            lax.dot_general(
                w_ref[...].astype(jnp.bfloat16), s_ref[...].astype(jnp.bfloat16),
                (((0,), (1,)), ((), ())),
                preferred_element_type=jnp.float32,
            )
            + b_ref[...]
        )

    return pl.pallas_call(
        body,
        grid=(nb,),
        in_specs=[
            pl.BlockSpec((R, 128), lambda i: (i, 0)),
            pl.BlockSpec((128, 64), lambda i: (1, 0)),
            pl.BlockSpec((64, 1), lambda i: (0, 0)),
        ],
        out_specs=pl.BlockSpec((64, R), lambda i: (0, i)),
        out_shape=jax.ShapeDtypeStruct((64, N0), jnp.float32),
    )(skip0, w2b, b2.reshape(64, 1))


def _tc_add(g0, s0_t):
    R = 6272
    nb = (N0 + R - 1) // R

    def body(g_ref, s_ref, o_ref):
        o_ref[...] = jnp.transpose(g_ref[:, :64]) + s_ref[...]

    return pl.pallas_call(
        body,
        grid=(nb,),
        in_specs=[
            pl.BlockSpec((R, 128), lambda i: (i, 0)),
            pl.BlockSpec((64, R), lambda i: (0, i)),
        ],
        out_specs=pl.BlockSpec((64, R), lambda i: (0, i)),
        out_shape=jax.ShapeDtypeStruct((64, N0), jnp.float32),
    )(g0, s0_t)


def _pad_idx(idx, n_pad, n_chunks, chunk):
    flat = jnp.pad(idx[:, 0].astype(jnp.int32), (0, n_pad - idx.shape[0]))
    return flat.reshape(NW, n_chunks, chunk)


def kernel(feats0, skip0, skip1, up0, up1, W1, b1, gamma1, beta1, W2, b2):
    del b1
    w2a = W2[:128]

    idx1 = _pad_idx(up1, N1P, 7, 56)
    idx0 = _pad_idx(up0, N0P, 14, 112)

    z2 = _tc_coarse(feats0.T, W1)
    s1 = _tc_skip1(skip1, W1)
    g1 = _sc_gather(z2, idx1, N1P, 128, 7, 56, table_rows=N2P)
    y = _tc_mid(g1, s1, gamma1, beta1, w2a)
    s0_t = _tc_skip0(skip0, W2, b2)
    g0 = _sc_gather_stream(y, idx0, N0P, 128, 14, 112, nbuf=8)
    return _tc_add(g0, s0_t).T

# --- scband reference (transcript-rebuilt; emitter-appended) ---
"""Pipeline reference for scband-kpdecoder-12841952215062 (READ-ONLY COPY).

The authoritative reference and input builder live on the scoring server;
editing this copy changes nothing except your own understanding.
"""

import jax, jax.numpy as jnp
import numpy as np

N0, N1, N2 = 50000, 12500, 3125


def setup_inputs(seed: int = 0):
    key = jax.random.key(seed)
    ks = jax.random.split(key, 8)
    feats0 = jax.random.normal(ks[0], (256, N2), dtype=jnp.float32)
    skip0 = jax.random.normal(ks[1], (N0, 128), dtype=jnp.float32)
    skip1 = jax.random.normal(ks[2], (N1, 256), dtype=jnp.float32)
    up0 = jax.random.randint(ks[3], (N0, 1), 0, N1, dtype=jnp.int64 if jax.config.jax_enable_x64 else jnp.int32)
    up1 = jax.random.randint(ks[4], (N1, 1), 0, N2, dtype=jnp.int64 if jax.config.jax_enable_x64 else jnp.int32)
    # learned parameters (decoder blocks):
    # block 1 'unary': Linear(512 -> 128) + BatchNorm + LeakyReLU(0.1)
    W1 = jax.random.normal(ks[5], (512, 128), dtype=jnp.float32) * 0.05
    b1 = jnp.zeros((128,), dtype=jnp.float32)
    gamma1 = jnp.ones((128,), dtype=jnp.float32)
    beta1 = jnp.zeros((128,), dtype=jnp.float32)
    # block 3 'last_unary': Linear(256 -> 64), no BN, no activation
    W2 = jax.random.normal(ks[6], (256, 64), dtype=jnp.float32) * 0.05
    b2 = jnp.zeros((64,), dtype=jnp.float32)
    return {"feats0": feats0, "skip0": skip0, "skip1": skip1, "up0": up0, "up1": up1,
            "W1": W1, "b1": b1, "gamma1": gamma1, "beta1": beta1, "W2": W2, "b2": b2}


def _closest_pool(x, inds):
    # KPConv closest_pool: gather features of the closest coarse point (column 0)
    return jnp.take(x, inds[:, 0], axis=0)


def reference(feats0, skip0, skip1, up0, up1, W1, b1, gamma1, beta1, W2, b2):
    # x = feats[0].transpose(0, 1): [C, N2] -> [N2, C]
    x = jnp.transpose(feats0, (0, 1)).T  # [N2, 256]
    # decoder block 0: nearest_upsample (layer 2 -> 1), batch['upsamples'][1]
    x = _closest_pool(x, up1)  # [N1, 256]
    # decoder block 1: concat skip_x.pop() (layer-1 skip) then UnaryBlock(512 -> 128)
    x = jnp.concatenate([x, skip1], axis=1)  # [N1, 512]
    h = x @ W1 + b1
    mean = jnp.mean(h, axis=0)
    var = jnp.var(h, axis=0)
    h = (h - mean) / jnp.sqrt(var + 1e-5) * gamma1 + beta1
    x = jax.nn.leaky_relu(h, negative_slope=0.1)  # [N1, 128]
    # decoder block 2: nearest_upsample (layer 1 -> 0), batch['upsamples'][0]
    x = _closest_pool(x, up0)  # [N0, 128]
    # decoder block 3: concat skip_x.pop() (layer-0 skip) then last_unary Linear(256 -> 64)
    x = jnp.concatenate([x, skip0], axis=1)  # [N0, 256]
    x = x @ W2 + b2  # [N0, 64]
    return x

if __name__ == "__main__":
    import jax
    _d = setup_inputs()
    print(jax.jit(kernel)(*tuple(_d.values())))

</pallas_src>

<mosaic_0001>
#map = affine_map<(d0, d1) -> (0, 0)>
#map1 = affine_map<(d0, d1) -> (0, 0, 0)>
module attributes {stable_mosaic.version = 14 : i64} {
  func.func @k(%arg0: i32, %arg1: i32, %arg2: memref<3200x128xf32, #tpu.memory_space<hbm>>, %arg3: memref<32x7x56xi32, #tpu.memory_space<hbm>>, %arg4: memref<12544x128xf32, #tpu.memory_space<hbm>>, %arg5: memref<7x56xi32, #tpu.memory_space<vmem>>, %arg6: memref<392x128xf32, #tpu.memory_space<vmem>>, %arg7: memref<3200x128xf32, #tpu.memory_space<vmem_shared>>, %arg8: memref<!tpu.dma_semaphore, #tpu.memory_space<semaphore_mem>>) attributes {dimension_semantics = [#tpu.dimension_semantics<core_parallel>, #tpu.dimension_semantics<subcore_parallel>], iteration_bounds = array<i64: 2, 16>, scalar_prefetch = 0 : i64, scratch_operands = 4 : i64, tpu.core_type = #tpu.core_type<sc_vector_subcore>, window_params = [{transform_indices = #map}, {transform_indices = #map1}, {transform_indices = #map}]} {
    %mul3A = arith.constant 2 : i32
    %mul3A_0 = arith.muli %arg1, %mul3A : i32
    %add3A = arith.addi %mul3A_0, %arg0 : i32
    %mul3A_1 = arith.constant 392 : i32
    %mul3A_2 = arith.muli %add3A, %mul3A_1 : i32
    %mul3A_3 = arith.constant 200 : i32
    %mul3A_4 = arith.muli %arg1, %mul3A_3 : i32
    %mul3A_5 = arith.constant 200 : i32
    %mul3A_6 = arith.muli %arg1, %mul3A_5 : i32
    "tpu.region"() ({
      %run_scoped3A = tpu.sem_alloc : memref<!tpu.dma_semaphore, #tpu.memory_space<semaphore_mem>>
      %dma_start3A_145 = arith.constant 0 : i32
      %dma_start3A_146 = tpu.memref_slice %arg7[%mul3A_6, %dma_start3A_145] : memref<3200x128xf32, #tpu.memory_space<vmem_shared>> -> memref<200x128xf32, #tpu.memory_space<vmem_shared>>
      %dma_start3A_147 = arith.constant 0 : i32
      %dma_start3A_148 = tpu.memref_slice %arg2[%mul3A_4, %dma_start3A_147] : memref<3200x128xf32, #tpu.memory_space<hbm>> -> memref<200x128xf32, #tpu.memory_space<hbm>>
      tpu.enqueue_dma source(%dma_start3A_148 : memref<200x128xf32, #tpu.memory_space<hbm>>) target(%dma_start3A_146 : memref<200x128xf32, #tpu.memory_space<vmem_shared>>) target_semaphore(%run_scoped3A : memref<!tpu.dma_semaphore, #tpu.memory_space<semaphore_mem>>)
      %dma_wait3A_149 = arith.constant 0 : i32
      %dma_wait3A_150 = tpu.memref_slice %arg7[%mul3A_6, %dma_wait3A_149] : memref<3200x128xf32, #tpu.memory_space<vmem_shared>> -> memref<200x128xf32, #tpu.memory_space<vmem_shared>>
      %dma_wait3A_151 = arith.constant 0 : i32
      %dma_wait3A_152 = tpu.memref_slice %arg2[%mul3A_4, %dma_wait3A_151] : memref<3200x128xf32, #tpu.memory_space<hbm>> -> memref<200x128xf32, #tpu.memory_space<hbm>>
      tpu.wait_dma2 semaphore(%run_scoped3A : memref<!tpu.dma_semaphore, #tpu.memory_space<semaphore_mem>>) src(%dma_wait3A_152 : memref<200x128xf32, #tpu.memory_space<hbm>>) dst(%dma_wait3A_150 : memref<200x128xf32, #tpu.memory_space<vmem_shared>>)
      tpu.yield
    }) : () -> ()
    "tpu.region"() ({
      %run_scoped3A = tpu.sem_alloc : memref<!tpu.dma_semaphore, #tpu.memory_space<semaphore_mem>>
      %dma_start3A_145 = arith.constant 0 : i32
      %dma_start3A_146 = arith.constant 0 : i32
      %dma_start3A_147 = tpu.memref_slice %arg3[%add3A, %dma_start3A_145, %dma_start3A_146] : memref<32x7x56xi32, #tpu.memory_space<hbm>> -> memref<1x7x56xi32, #tpu.memory_space<hbm>>
      %dma_start3A_148 = tpu.memref_squeeze %dma_start3A_147 : memref<1x7x56xi32, #tpu.memory_space<hbm>> -> memref<7x56xi32, #tpu.memory_space<hbm>>
      %dma_start3A_149 = arith.constant 0 : i32
      %dma_start3A_150 = arith.constant 0 : i32
      %dma_start3A_151 = tpu.memref_slice %arg3[%add3A, %dma_start3A_149, %dma_start3A_150] : memref<32x7x56xi32, #tpu.memory_space<hbm>> -> memref<1x7x56xi32, #tpu.memory_space<hbm>>
      %dma_start3A_152 = tpu.memref_squeeze %dma_start3A_151 : memref<1x7x56xi32, #tpu.memory_space<hbm>> -> memref<7x56xi32, #tpu.memory_space<hbm>>
      tpu.enqueue_dma source(%dma_start3A_152 : memref<7x56xi32, #tpu.memory_space<hbm>>) target(%arg5 : memref<7x56xi32, #tpu.memory_space<vmem>>) target_semaphore(%run_scoped3A : memref<!tpu.dma_semaphore, #tpu.memory_space<semaphore_mem>>)
      %dma_wait3A_153 = arith.constant 0 : i32
      %dma_wait3A_154 = arith.constant 0 : i32
      %dma_wait3A_155 = tpu.memref_slice %arg3[%add3A, %dma_wait3A_153, %dma_wait3A_154] : memref<32x7x56xi32, #tpu.memory_space<hbm>> -> memref<1x7x56xi32, #tpu.memory_space<hbm>>
      %dma_wait3A_156 = tpu.memref_squeeze %dma_wait3A_155 : memref<1x7x56xi32, #tpu.memory_space<hbm>> -> memref<7x56xi32, #tpu.memory_space<hbm>>
      %dma_wait3A_157 = arith.constant 0 : i32
      %dma_wait3A_158 = arith.constant 0 : i32
      %dma_wait3A_159 = tpu.memref_slice %arg3[%add3A, %dma_wait3A_157, %dma_wait3A_158] : memref<32x7x56xi32, #tpu.memory_space<hbm>> -> memref<1x7x56xi32, #tpu.memory_space<hbm>>
      %dma_wait3A_160 = tpu.memref_squeeze %dma_wait3A_159 : memref<1x7x56xi32, #tpu.memory_space<hbm>> -> memref<7x56xi32, #tpu.memory_space<hbm>>
      tpu.wait_dma2 semaphore(%run_scoped3A : memref<!tpu.dma_semaphore, #tpu.memory_space<semaphore_mem>>) src(%dma_wait3A_160 : memref<7x56xi32, #tpu.memory_space<hbm>>) dst(%arg5 : memref<7x56xi32, #tpu.memory_space<vmem>>)
      tpu.yield
    }) : () -> ()
    %barrier3A = arith.constant 0 : index
    tpu.barrier barrier_id(%barrier3A)
    %dma_start3A = arith.constant 0 : i32
    %dma_start3A_7 = arith.constant 0 : i32
    %dma_start3A_8 = arith.constant 0 : i32
    %dma_start3A_9 = tpu.memref_slice %arg6[%dma_start3A_7, %dma_start3A_8] : memref<392x128xf32, #tpu.memory_space<vmem>> -> memref<56x128xf32, #tpu.memory_space<vmem>>
    %dma_start3A_10 = arith.constant 0 : i32
    %dma_start3A_11 = tpu.memref_slice %arg5[%dma_start3A, %dma_start3A_10] : memref<7x56xi32, #tpu.memory_space<vmem>> -> memref<1x56xi32, #tpu.memory_space<vmem>>
    %dma_start3A_12 = tpu.memref_squeeze %dma_start3A_11 : memref<1x56xi32, #tpu.memory_space<vmem>> -> memref<56xi32, #tpu.memory_space<vmem>>
    %dma_start3A_13 = arith.constant 0 : i32
    %dma_start3A_14 = arith.constant 0 : i32
    %dma_start3A_15 = tpu.memref_slice %arg7[%dma_start3A_13, %dma_start3A_14] : memref<3200x128xf32, #tpu.memory_space<vmem_shared>> -> memref<3200x128xf32, #tpu.memory_space<vmem_shared>>
    tpu.enqueue_indirect_dma source(%dma_start3A_15 : memref<3200x128xf32, #tpu.memory_space<vmem_shared>>) target(%dma_start3A_9 : memref<56x128xf32, #tpu.memory_space<vmem>>) offsets(%dma_start3A_12 : memref<56xi32, #tpu.memory_space<vmem>>) semaphore(%arg8 : memref<!tpu.dma_semaphore, #tpu.memory_space<semaphore_mem>>)
    %dma_start3A_16 = arith.constant 1 : i32
    %dma_start3A_17 = arith.constant 56 : i32
    %dma_start3A_18 = arith.constant 0 : i32
    %dma_start3A_19 = tpu.memref_slice %arg6[%dma_start3A_17, %dma_start3A_18] : memref<392x128xf32, #tpu.memory_space<vmem>> -> memref<56x128xf32, #tpu.memory_space<vmem>>
    %dma_start3A_20 = arith.constant 0 : i32
    %dma_start3A_21 = tpu.memref_slice %arg5[%dma_start3A_16, %dma_start3A_20] : memref<7x56xi32, #tpu.memory_space<vmem>> -> memref<1x56xi32, #tpu.memory_space<vmem>>
    %dma_start3A_22 = tpu.memref_squeeze %dma_start3A_21 : memref<1x56xi32, #tpu.memory_space<vmem>> -> memref<56xi32, #tpu.memory_space<vmem>>
    %dma_start3A_23 = arith.constant 0 : i32
    %dma_start3A_24 = arith.constant 0 : i32
    %dma_start3A_25 = tpu.memref_slice %arg7[%dma_start3A_23, %dma_start3A_24] : memref<3200x128xf32, #tpu.memory_space<vmem_shared>> -> memref<3200x128xf32, #tpu.memory_space<vmem_shared>>
    tpu.enqueue_indirect_dma source(%dma_start3A_25 : memref<3200x128xf32, #tpu.memory_space<vmem_shared>>) target(%dma_start3A_19 : memref<56x128xf32, #tpu.memory_space<vmem>>) offsets(%dma_start3A_22 : memref<56xi32, #tpu.memory_space<vmem>>) semaphore(%arg8 : memref<!tpu.dma_semaphore, #tpu.memory_space<semaphore_mem>>)
    %dma_start3A_26 = arith.constant 2 : i32
    %dma_start3A_27 = arith.constant 112 : i32
    %dma_start3A_28 = arith.constant 0 : i32
    %dma_start3A_29 = tpu.memref_slice %arg6[%dma_start3A_27, %dma_start3A_28] : memref<392x128xf32, #tpu.memory_space<vmem>> -> memref<56x128xf32, #tpu.memory_space<vmem>>
    %dma_start3A_30 = arith.constant 0 : i32
    %dma_start3A_31 = tpu.memref_slice %arg5[%dma_start3A_26, %dma_start3A_30] : memref<7x56xi32, #tpu.memory_space<vmem>> -> memref<1x56xi32, #tpu.memory_space<vmem>>
    %dma_start3A_32 = tpu.memref_squeeze %dma_start3A_31 : memref<1x56xi32, #tpu.memory_space<vmem>> -> memref<56xi32, #tpu.memory_space<vmem>>
    %dma_start3A_33 = arith.constant 0 : i32
    %dma_start3A_34 = arith.constant 0 : i32
    %dma_start3A_35 = tpu.memref_slice %arg7[%dma_start3A_33, %dma_start3A_34] : memref<3200x128xf32, #tpu.memory_space<vmem_shared>> -> memref<3200x128xf32, #tpu.memory_space<vmem_shared>>
    tpu.enqueue_indirect_dma source(%dma_start3A_35 : memref<3200x128xf32, #tpu.memory_space<vmem_shared>>) target(%dma_start3A_29 : memref<56x128xf32, #tpu.memory_space<vmem>>) offsets(%dma_start3A_32 : memref<56xi32, #tpu.memory_space<vmem>>) semaphore(%arg8 : memref<!tpu.dma_semaphore, #tpu.memory_space<semaphore_mem>>)
    %dma_start3A_36 = arith.constant 3 : i32
    %dma_start3A_37 = arith.constant 168 : i32
    %dma_start3A_38 = arith.constant 0 : i32
    %dma_start3A_39 = tpu.memref_slice %arg6[%dma_start3A_37, %dma_start3A_38] : memref<392x128xf32, #tpu.memory_space<vmem>> -> memref<56x128xf32, #tpu.memory_space<vmem>>
    %dma_start3A_40 = arith.constant 0 : i32
    %dma_start3A_41 = tpu.memref_slice %arg5[%dma_start3A_36, %dma_start3A_40] : memref<7x56xi32, #tpu.memory_space<vmem>> -> memref<1x56xi32, #tpu.memory_space<vmem>>
    %dma_start3A_42 = tpu.memref_squeeze %dma_start3A_41 : memref<1x56xi32, #tpu.memory_space<vmem>> -> memref<56xi32, #tpu.memory_space<vmem>>
    %dma_start3A_43 = arith.constant 0 : i32
    %dma_start3A_44 = arith.constant 0 : i32
    %dma_start3A_45 = tpu.memref_slice %arg7[%dma_start3A_43, %dma_start3A_44] : memref<3200x128xf32, #tpu.memory_space<vmem_shared>> -> memref<3200x128xf32, #tpu.memory_space<vmem_shared>>
    tpu.enqueue_indirect_dma source(%dma_start3A_45 : memref<3200x128xf32, #tpu.memory_space<vmem_shared>>) target(%dma_start3A_39 : memref<56x128xf32, #tpu.memory_space<vmem>>) offsets(%dma_start3A_42 : memref<56xi32, #tpu.memory_space<vmem>>) semaphore(%arg8 : memref<!tpu.dma_semaphore, #tpu.memory_space<semaphore_mem>>)
    %dma_start3A_46 = arith.constant 4 : i32
    %dma_start3A_47 = arith.constant 224 : i32
    %dma_start3A_48 = arith.constant 0 : i32
    %dma_start3A_49 = tpu.memref_slice %arg6[%dma_start3A_47, %dma_start3A_48] : memref<392x128xf32, #tpu.memory_space<vmem>> -> memref<56x128xf32, #tpu.memory_space<vmem>>
    %dma_start3A_50 = arith.constant 0 : i32
    %dma_start3A_51 = tpu.memref_slice %arg5[%dma_start3A_46, %dma_start3A_50] : memref<7x56xi32, #tpu.memory_space<vmem>> -> memref<1x56xi32, #tpu.memory_space<vmem>>
    %dma_start3A_52 = tpu.memref_squeeze %dma_start3A_51 : memref<1x56xi32, #tpu.memory_space<vmem>> -> memref<56xi32, #tpu.memory_space<vmem>>
    %dma_start3A_53 = arith.constant 0 : i32
    %dma_start3A_54 = arith.constant 0 : i32
    %dma_start3A_55 = tpu.memref_slice %arg7[%dma_start3A_53, %dma_start3A_54] : memref<3200x128xf32, #tpu.memory_space<vmem_shared>> -> memref<3200x128xf32, #tpu.memory_space<vmem_shared>>
    tpu.enqueue_indirect_dma source(%dma_start3A_55 : memref<3200x128xf32, #tpu.memory_space<vmem_shared>>) target(%dma_start3A_49 : memref<56x128xf32, #tpu.memory_space<vmem>>) offsets(%dma_start3A_52 : memref<56xi32, #tpu.memory_space<vmem>>) semaphore(%arg8 : memref<!tpu.dma_semaphore, #tpu.memory_space<semaphore_mem>>)
    %dma_start3A_56 = arith.constant 5 : i32
    %dma_start3A_57 = arith.constant 280 : i32
    %dma_start3A_58 = arith.constant 0 : i32
    %dma_start3A_59 = tpu.memref_slice %arg6[%dma_start3A_57, %dma_start3A_58] : memref<392x128xf32, #tpu.memory_space<vmem>> -> memref<56x128xf32, #tpu.memory_space<vmem>>
    %dma_start3A_60 = arith.constant 0 : i32
    %dma_start3A_61 = tpu.memref_slice %arg5[%dma_start3A_56, %dma_start3A_60] : memref<7x56xi32, #tpu.memory_space<vmem>> -> memref<1x56xi32, #tpu.memory_space<vmem>>
    %dma_start3A_62 = tpu.memref_squeeze %dma_start3A_61 : memref<1x56xi32, #tpu.memory_space<vmem>> -> memref<56xi32, #tpu.memory_space<vmem>>
    %dma_start3A_63 = arith.constant 0 : i32
    %dma_start3A_64 = arith.constant 0 : i32
    %dma_start3A_65 = tpu.memref_slice %arg7[%dma_start3A_63, %dma_start3A_64] : memref<3200x128xf32, #tpu.memory_space<vmem_shared>> -> memref<3200x128xf32, #tpu.memory_space<vmem_shared>>
    tpu.enqueue_indirect_dma source(%dma_start3A_65 : memref<3200x128xf32, #tpu.memory_space<vmem_shared>>) target(%dma_start3A_59 : memref<56x128xf32, #tpu.memory_space<vmem>>) offsets(%dma_start3A_62 : memref<56xi32, #tpu.memory_space<vmem>>) semaphore(%arg8 : memref<!tpu.dma_semaphore, #tpu.memory_space<semaphore_mem>>)
    %dma_start3A_66 = arith.constant 6 : i32
    %dma_start3A_67 = arith.constant 336 : i32
    %dma_start3A_68 = arith.constant 0 : i32
    %dma_start3A_69 = tpu.memref_slice %arg6[%dma_start3A_67, %dma_start3A_68] : memref<392x128xf32, #tpu.memory_space<vmem>> -> memref<56x128xf32, #tpu.memory_space<vmem>>
    %dma_start3A_70 = arith.constant 0 : i32
    %dma_start3A_71 = tpu.memref_slice %arg5[%dma_start3A_66, %dma_start3A_70] : memref<7x56xi32, #tpu.memory_space<vmem>> -> memref<1x56xi32, #tpu.memory_space<vmem>>
    %dma_start3A_72 = tpu.memref_squeeze %dma_start3A_71 : memref<1x56xi32, #tpu.memory_space<vmem>> -> memref<56xi32, #tpu.memory_space<vmem>>
    %dma_start3A_73 = arith.constant 0 : i32
    %dma_start3A_74 = arith.constant 0 : i32
    %dma_start3A_75 = tpu.memref_slice %arg7[%dma_start3A_73, %dma_start3A_74] : memref<3200x128xf32, #tpu.memory_space<vmem_shared>> -> memref<3200x128xf32, #tpu.memory_space<vmem_shared>>
    tpu.enqueue_indirect_dma source(%dma_start3A_75 : memref<3200x128xf32, #tpu.memory_space<vmem_shared>>) target(%dma_start3A_69 : memref<56x128xf32, #tpu.memory_space<vmem>>) offsets(%dma_start3A_72 : memref<56xi32, #tpu.memory_space<vmem>>) semaphore(%arg8 : memref<!tpu.dma_semaphore, #tpu.memory_space<semaphore_mem>>)
    %dma_wait3A = arith.constant 0 : i32
    %dma_wait3A_76 = arith.constant 0 : i32
    %dma_wait3A_77 = arith.constant 0 : i32
    %dma_wait3A_78 = tpu.memref_slice %arg6[%dma_wait3A_76, %dma_wait3A_77] : memref<392x128xf32, #tpu.memory_space<vmem>> -> memref<56x128xf32, #tpu.memory_space<vmem>>
    %dma_wait3A_79 = arith.constant 0 : i32
    %dma_wait3A_80 = tpu.memref_slice %arg5[%dma_wait3A, %dma_wait3A_79] : memref<7x56xi32, #tpu.memory_space<vmem>> -> memref<1x56xi32, #tpu.memory_space<vmem>>
    %dma_wait3A_81 = tpu.memref_squeeze %dma_wait3A_80 : memref<1x56xi32, #tpu.memory_space<vmem>> -> memref<56xi32, #tpu.memory_space<vmem>>
    %dma_wait3A_82 = arith.constant 0 : i32
    %dma_wait3A_83 = arith.constant 0 : i32
    %dma_wait3A_84 = tpu.memref_slice %arg7[%dma_wait3A_82, %dma_wait3A_83] : memref<3200x128xf32, #tpu.memory_space<vmem_shared>> -> memref<3200x128xf32, #tpu.memory_space<vmem_shared>>
    tpu.wait_indirect_dma semaphore(%arg8 : memref<!tpu.dma_semaphore, #tpu.memory_space<semaphore_mem>>) src(%dma_wait3A_84 : memref<3200x128xf32, #tpu.memory_space<vmem_shared>>) dst(%dma_wait3A_78 : memref<56x128xf32, #tpu.memory_space<vmem>>)
    %dma_wait3A_85 = arith.constant 1 : i32
    %dma_wait3A_86 = arith.constant 56 : i32
    %dma_wait3A_87 = arith.constant 0 : i32
    %dma_wait3A_88 = tpu.memref_slice %arg6[%dma_wait3A_86, %dma_wait3A_87] : memref<392x128xf32, #tpu.memory_space<vmem>> -> memref<56x128xf32, #tpu.memory_space<vmem>>
    %dma_wait3A_89 = arith.constant 0 : i32
    %dma_wait3A_90 = tpu.memref_slice %arg5[%dma_wait3A_85, %dma_wait3A_89] : memref<7x56xi32, #tpu.memory_space<vmem>> -> memref<1x56xi32, #tpu.memory_space<vmem>>
    %dma_wait3A_91 = tpu.memref_squeeze %dma_wait3A_90 : memref<1x56xi32, #tpu.memory_space<vmem>> -> memref<56xi32, #tpu.memory_space<vmem>>
    %dma_wait3A_92 = arith.constant 0 : i32
    %dma_wait3A_93 = arith.constant 0 : i32
    %dma_wait3A_94 = tpu.memref_slice %arg7[%dma_wait3A_92, %dma_wait3A_93] : memref<3200x128xf32, #tpu.memory_space<vmem_shared>> -> memref<3200x128xf32, #tpu.memory_space<vmem_shared>>
    tpu.wait_indirect_dma semaphore(%arg8 : memref<!tpu.dma_semaphore, #tpu.memory_space<semaphore_mem>>) src(%dma_wait3A_94 : memref<3200x128xf32, #tpu.memory_space<vmem_shared>>) dst(%dma_wait3A_88 : memref<56x128xf32, #tpu.memory_space<vmem>>)
    %dma_wait3A_95 = arith.constant 2 : i32
    %dma_wait3A_96 = arith.constant 112 : i32
    %dma_wait3A_97 = arith.constant 0 : i32
    %dma_wait3A_98 = tpu.memref_slice %arg6[%dma_wait3A_96, %dma_wait3A_97] : memref<392x128xf32, #tpu.memory_space<vmem>> -> memref<56x128xf32, #tpu.memory_space<vmem>>
    %dma_wait3A_99 = arith.constant 0 : i32
    %dma_wait3A_100 = tpu.memref_slice %arg5[%dma_wait3A_95, %dma_wait3A_99] : memref<7x56xi32, #tpu.memory_space<vmem>> -> memref<1x56xi32, #tpu.memory_space<vmem>>
    %dma_wait3A_101 = tpu.memref_squeeze %dma_wait3A_100 : memref<1x56xi32, #tpu.memory_space<vmem>> -> memref<56xi32, #tpu.memory_space<vmem>>
    %dma_wait3A_102 = arith.constant 0 : i32
    %dma_wait3A_103 = arith.constant 0 : i32
    %dma_wait3A_104 = tpu.memref_slice %arg7[%dma_wait3A_102, %dma_wait3A_103] : memref<3200x128xf32, #tpu.memory_space<vmem_shared>> -> memref<3200x128xf32, #tpu.memory_space<vmem_shared>>
    tpu.wait_indirect_dma semaphore(%arg8 : memref<!tpu.dma_semaphore, #tpu.memory_space<semaphore_mem>>) src(%dma_wait3A_104 : memref<3200x128xf32, #tpu.memory_space<vmem_shared>>) dst(%dma_wait3A_98 : memref<56x128xf32, #tpu.memory_space<vmem>>)
    %dma_wait3A_105 = arith.constant 3 : i32
    %dma_wait3A_106 = arith.constant 168 : i32
    %dma_wait3A_107 = arith.constant 0 : i32
    %dma_wait3A_108 = tpu.memref_slice %arg6[%dma_wait3A_106, %dma_wait3A_107] : memref<392x128xf32, #tpu.memory_space<vmem>> -> memref<56x128xf32, #tpu.memory_space<vmem>>
    %dma_wait3A_109 = arith.constant 0 : i32
    %dma_wait3A_110 = tpu.memref_slice %arg5[%dma_wait3A_105, %dma_wait3A_109] : memref<7x56xi32, #tpu.memory_space<vmem>> -> memref<1x56xi32, #tpu.memory_space<vmem>>
    %dma_wait3A_111 = tpu.memref_squeeze %dma_wait3A_110 : memref<1x56xi32, #tpu.memory_space<vmem>> -> memref<56xi32, #tpu.memory_space<vmem>>
    %dma_wait3A_112 = arith.constant 0 : i32
    %dma_wait3A_113 = arith.constant 0 : i32
    %dma_wait3A_114 = tpu.memref_slice %arg7[%dma_wait3A_112, %dma_wait3A_113] : memref<3200x128xf32, #tpu.memory_space<vmem_shared>> -> memref<3200x128xf32, #tpu.memory_space<vmem_shared>>
    tpu.wait_indirect_dma semaphore(%arg8 : memref<!tpu.dma_semaphore, #tpu.memory_space<semaphore_mem>>) src(%dma_wait3A_114 : memref<3200x128xf32, #tpu.memory_space<vmem_shared>>) dst(%dma_wait3A_108 : memref<56x128xf32, #tpu.memory_space<vmem>>)
    %dma_wait3A_115 = arith.constant 4 : i32
    %dma_wait3A_116 = arith.constant 224 : i32
    %dma_wait3A_117 = arith.constant 0 : i32
    %dma_wait3A_118 = tpu.memref_slice %arg6[%dma_wait3A_116, %dma_wait3A_117] : memref<392x128xf32, #tpu.memory_space<vmem>> -> memref<56x128xf32, #tpu.memory_space<vmem>>
    %dma_wait3A_119 = arith.constant 0 : i32
    %dma_wait3A_120 = tpu.memref_slice %arg5[%dma_wait3A_115, %dma_wait3A_119] : memref<7x56xi32, #tpu.memory_space<vmem>> -> memref<1x56xi32, #tpu.memory_space<vmem>>
    %dma_wait3A_121 = tpu.memref_squeeze %dma_wait3A_120 : memref<1x56xi32, #tpu.memory_space<vmem>> -> memref<56xi32, #tpu.memory_space<vmem>>
    %dma_wait3A_122 = arith.constant 0 : i32
    %dma_wait3A_123 = arith.constant 0 : i32
    %dma_wait3A_124 = tpu.memref_slice %arg7[%dma_wait3A_122, %dma_wait3A_123] : memref<3200x128xf32, #tpu.memory_space<vmem_shared>> -> memref<3200x128xf32, #tpu.memory_space<vmem_shared>>
    tpu.wait_indirect_dma semaphore(%arg8 : memref<!tpu.dma_semaphore, #tpu.memory_space<semaphore_mem>>) src(%dma_wait3A_124 : memref<3200x128xf32, #tpu.memory_space<vmem_shared>>) dst(%dma_wait3A_118 : memref<56x128xf32, #tpu.memory_space<vmem>>)
    %dma_wait3A_125 = arith.constant 5 : i32
    %dma_wait3A_126 = arith.constant 280 : i32
    %dma_wait3A_127 = arith.constant 0 : i32
    %dma_wait3A_128 = tpu.memref_slice %arg6[%dma_wait3A_126, %dma_wait3A_127] : memref<392x128xf32, #tpu.memory_space<vmem>> -> memref<56x128xf32, #tpu.memory_space<vmem>>
    %dma_wait3A_129 = arith.constant 0 : i32
    %dma_wait3A_130 = tpu.memref_slice %arg5[%dma_wait3A_125, %dma_wait3A_129] : memref<7x56xi32, #tpu.memory_space<vmem>> -> memref<1x56xi32, #tpu.memory_space<vmem>>
    %dma_wait3A_131 = tpu.memref_squeeze %dma_wait3A_130 : memref<1x56xi32, #tpu.memory_space<vmem>> -> memref<56xi32, #tpu.memory_space<vmem>>
    %dma_wait3A_132 = arith.constant 0 : i32
    %dma_wait3A_133 = arith.constant 0 : i32
    %dma_wait3A_134 = tpu.memref_slice %arg7[%dma_wait3A_132, %dma_wait3A_133] : memref<3200x128xf32, #tpu.memory_space<vmem_shared>> -> memref<3200x128xf32, #tpu.memory_space<vmem_shared>>
    tpu.wait_indirect_dma semaphore(%arg8 : memref<!tpu.dma_semaphore, #tpu.memory_space<semaphore_mem>>) src(%dma_wait3A_134 : memref<3200x128xf32, #tpu.memory_space<vmem_shared>>) dst(%dma_wait3A_128 : memref<56x128xf32, #tpu.memory_space<vmem>>)
    %dma_wait3A_135 = arith.constant 6 : i32
    %dma_wait3A_136 = arith.constant 336 : i32
    %dma_wait3A_137 = arith.constant 0 : i32
    %dma_wait3A_138 = tpu.memref_slice %arg6[%dma_wait3A_136, %dma_wait3A_137] : memref<392x128xf32, #tpu.memory_space<vmem>> -> memref<56x128xf32, #tpu.memory_space<vmem>>
    %dma_wait3A_139 = arith.constant 0 : i32
    %dma_wait3A_140 = tpu.memref_slice %arg5[%dma_wait3A_135, %dma_wait3A_139] : memref<7x56xi32, #tpu.memory_space<vmem>> -> memref<1x56xi32, #tpu.memory_space<vmem>>
    %dma_wait3A_141 = tpu.memref_squeeze %dma_wait3A_140 : memref<1x56xi32, #tpu.memory_space<vmem>> -> memref<56xi32, #tpu.memory_space<vmem>>
    %dma_wait3A_142 = arith.constant 0 : i32
    %dma_wait3A_143 = arith.constant 0 : i32
    %dma_wait3A_144 = tpu.memref_slice %arg7[%dma_wait3A_142, %dma_wait3A_143] : memref<3200x128xf32, #tpu.memory_space<vmem_shared>> -> memref<3200x128xf32, #tpu.memory_space<vmem_shared>>
    tpu.wait_indirect_dma semaphore(%arg8 : memref<!tpu.dma_semaphore, #tpu.memory_space<semaphore_mem>>) src(%dma_wait3A_144 : memref<3200x128xf32, #tpu.memory_space<vmem_shared>>) dst(%dma_wait3A_138 : memref<56x128xf32, #tpu.memory_space<vmem>>)
    "tpu.region"() ({
      %run_scoped3A = tpu.sem_alloc : memref<!tpu.dma_semaphore, #tpu.memory_space<semaphore_mem>>
      %dma_start3A_145 = arith.constant 0 : i32
      %dma_start3A_146 = tpu.memref_slice %arg4[%mul3A_2, %dma_start3A_145] : memref<12544x128xf32, #tpu.memory_space<hbm>> -> memref<392x128xf32, #tpu.memory_space<hbm>>
      %dma_start3A_147 = arith.constant 0 : i32
      %dma_start3A_148 = tpu.memref_slice %arg4[%mul3A_2, %dma_start3A_147] : memref<12544x128xf32, #tpu.memory_space<hbm>> -> memref<392x128xf32, #tpu.memory_space<hbm>>
      tpu.enqueue_dma source(%arg6 : memref<392x128xf32, #tpu.memory_space<vmem>>) target(%dma_start3A_148 : memref<392x128xf32, #tpu.memory_space<hbm>>) target_semaphore(%run_scoped3A : memref<!tpu.dma_semaphore, #tpu.memory_space<semaphore_mem>>)
      %dma_wait3A_149 = arith.constant 0 : i32
      %dma_wait3A_150 = tpu.memref_slice %arg4[%mul3A_2, %dma_wait3A_149] : memref<12544x128xf32, #tpu.memory_space<hbm>> -> memref<392x128xf32, #tpu.memory_space<hbm>>
      %dma_wait3A_151 = arith.constant 0 : i32
      %dma_wait3A_152 = tpu.memref_slice %arg4[%mul3A_2, %dma_wait3A_151] : memref<12544x128xf32, #tpu.memory_space<hbm>> -> memref<392x128xf32, #tpu.memory_space<hbm>>
      tpu.wait_dma2 semaphore(%run_scoped3A : memref<!tpu.dma_semaphore, #tpu.memory_space<semaphore_mem>>) src(%arg6 : memref<392x128xf32, #tpu.memory_space<vmem>>) dst(%dma_wait3A_152 : memref<392x128xf32, #tpu.memory_space<hbm>>)
      tpu.yield
    }) : () -> ()
    return
  }
}

#map = affine_map<(d0, d1) -> (0, 0)>
#map1 = affine_map<(d0, d1) -> (0, 0, 0)>
module attributes {stable_mosaic.version = 14 : i64} {
  func.func @k(%arg0: i32, %arg1: i32, %arg2: memref<12544x128xf32, #tpu.memory_space<hbm>>, %arg3: memref<32x14x112xi32, #tpu.memory_space<hbm>>, %arg4: memref<50176x128xf32, #tpu.memory_space<hbm>>, %arg5: memref<14x112xi32, #tpu.memory_space<vmem>>, %arg6: memref<8x112x128xf32, #tpu.memory_space<vmem>>, %arg7: memref<!tpu.dma_semaphore, #tpu.memory_space<semaphore_mem>>, %arg8: memref<!tpu.dma_semaphore, #tpu.memory_space<semaphore_mem>>) attributes {dimension_semantics = [#tpu.dimension_semantics<core_parallel>, #tpu.dimension_semantics<subcore_parallel>], iteration_bounds = array<i64: 2, 16>, scalar_prefetch = 0 : i64, scratch_operands = 4 : i64, tpu.core_type = #tpu.core_type<sc_vector_subcore>, window_params = [{transform_indices = #map}, {transform_indices = #map1}, {transform_indices = #map}]} {
    %mul3A = arith.constant 2 : i32
    %mul3A_0 = arith.muli %arg1, %mul3A : i32
    %add3A = arith.addi %mul3A_0, %arg0 : i32
    %mul3A_1 = arith.constant 1568 : i32
    %mul3A_2 = arith.muli %add3A, %mul3A_1 : i32
    "tpu.region"() ({
      %run_scoped3A = tpu.sem_alloc : memref<!tpu.dma_semaphore, #tpu.memory_space<semaphore_mem>>
      %dma_start3A_729 = arith.constant 0 : i32
      %dma_start3A_730 = arith.constant 0 : i32
      %dma_start3A_731 = tpu.memref_slice %arg3[%add3A, %dma_start3A_729, %dma_start3A_730] : memref<32x14x112xi32, #tpu.memory_space<hbm>> -> memref<1x14x112xi32, #tpu.memory_space<hbm>>
      %dma_start3A_732 = tpu.memref_squeeze %dma_start3A_731 : memref<1x14x112xi32, #tpu.memory_space<hbm>> -> memref<14x112xi32, #tpu.memory_space<hbm>>
      %dma_start3A_733 = arith.constant 0 : i32
      %dma_start3A_734 = arith.constant 0 : i32
      %dma_start3A_735 = tpu.memref_slice %arg3[%add3A, %dma_start3A_733, %dma_start3A_734] : memref<32x14x112xi32, #tpu.memory_space<hbm>> -> memref<1x14x112xi32, #tpu.memory_space<hbm>>
      %dma_start3A_736 = tpu.memref_squeeze %dma_start3A_735 : memref<1x14x112xi32, #tpu.memory_space<hbm>> -> memref<14x112xi32, #tpu.memory_space<hbm>>
      tpu.enqueue_dma source(%dma_start3A_736 : memref<14x112xi32, #tpu.memory_space<hbm>>) target(%arg5 : memref<14x112xi32, #tpu.memory_space<vmem>>) target_semaphore(%run_scoped3A : memref<!tpu.dma_semaphore, #tpu.memory_space<semaphore_mem>>)
      %dma_wait3A_737 = arith.constant 0 : i32
      %dma_wait3A_738 = arith.constant 0 : i32
      %dma_wait3A_739 = tpu.memref_slice %arg3[%add3A, %dma_wait3A_737, %dma_wait3A_738] : memref<32x14x112xi32, #tpu.memory_space<hbm>> -> memref<1x14x112xi32, #tpu.memory_space<hbm>>
      %dma_wait3A_740 = tpu.memref_squeeze %dma_wait3A_739 : memref<1x14x112xi32, #tpu.memory_space<hbm>> -> memref<14x112xi32, #tpu.memory_space<hbm>>
      %dma_wait3A_741 = arith.constant 0 : i32
      %dma_wait3A_742 = arith.constant 0 : i32
      %dma_wait3A_743 = tpu.memref_slice %arg3[%add3A, %dma_wait3A_741, %dma_wait3A_742] : memref<32x14x112xi32, #tpu.memory_space<hbm>> -> memref<1x14x112xi32, #tpu.memory_space<hbm>>
      %dma_wait3A_744 = tpu.memref_squeeze %dma_wait3A_743 : memref<1x14x112xi32, #tpu.memory_space<hbm>> -> memref<14x112xi32, #tpu.memory_space<hbm>>
      tpu.wait_dma2 semaphore(%run_scoped3A : memref<!tpu.dma_semaphore, #tpu.memory_space<semaphore_mem>>) src(%dma_wait3A_744 : memref<14x112xi32, #tpu.memory_space<hbm>>) dst(%arg5 : memref<14x112xi32, #tpu.memory_space<vmem>>)
      tpu.yield
    }) : () -> ()
    %dma_start3A = arith.constant 0 : i32
    %dma_start3A_3 = arith.constant 0 : i32
    %dma_start3A_4 = arith.constant 0 : i32
    %dma_start3A_5 = arith.constant 0 : i32
    %dma_start3A_6 = tpu.memref_slice %arg6[%dma_start3A_3, %dma_start3A_4, %dma_start3A_5] : memref<8x112x128xf32, #tpu.memory_space<vmem>> -> memref<1x112x128xf32, #tpu.memory_space<vmem>>
    %dma_start3A_7 = tpu.memref_squeeze %dma_start3A_6 : memref<1x112x128xf32, #tpu.memory_space<vmem>> -> memref<112x128xf32, #tpu.memory_space<vmem>>
    %dma_start3A_8 = arith.constant 0 : i32
    %dma_start3A_9 = tpu.memref_slice %arg5[%dma_start3A, %dma_start3A_8] : memref<14x112xi32, #tpu.memory_space<vmem>> -> memref<1x112xi32, #tpu.memory_space<vmem>>
    %dma_start3A_10 = tpu.memref_squeeze %dma_start3A_9 : memref<1x112xi32, #tpu.memory_space<vmem>> -> memref<112xi32, #tpu.memory_space<vmem>>
    %dma_start3A_11 = arith.constant 0 : i32
    %dma_start3A_12 = arith.constant 0 : i32
    %dma_start3A_13 = tpu.memref_slice %arg2[%dma_start3A_11, %dma_start3A_12] : memref<12544x128xf32, #tpu.memory_space<hbm>> -> memref<12544x128xf32, #tpu.memory_space<hbm>>
    tpu.enqueue_indirect_dma source(%dma_start3A_13 : memref<12544x128xf32, #tpu.memory_space<hbm>>) target(%dma_start3A_7 : memref<112x128xf32, #tpu.memory_space<vmem>>) offsets(%dma_start3A_10 : memref<112xi32, #tpu.memory_space<vmem>>) semaphore(%arg7 : memref<!tpu.dma_semaphore, #tpu.memory_space<semaphore_mem>>)
    %dma_start3A_14 = arith.constant 1 : i32
    %dma_start3A_15 = arith.constant 1 : i32
    %dma_start3A_16 = arith.constant 0 : i32
    %dma_start3A_17 = arith.constant 0 : i32
    %dma_start3A_18 = tpu.memref_slice %arg6[%dma_start3A_15, %dma_start3A_16, %dma_start3A_17] : memref<8x112x128xf32, #tpu.memory_space<vmem>> -> memref<1x112x128xf32, #tpu.memory_space<vmem>>
    %dma_start3A_19 = tpu.memref_squeeze %dma_start3A_18 : memref<1x112x128xf32, #tpu.memory_space<vmem>> -> memref<112x128xf32, #tpu.memory_space<vmem>>
    %dma_start3A_20 = arith.constant 0 : i32
    %dma_start3A_21 = tpu.memref_slice %arg5[%dma_start3A_14, %dma_start3A_20] : memref<14x112xi32, #tpu.memory_space<vmem>> -> memref<1x112xi32, #tpu.memory_space<vmem>>
    %dma_start3A_22 = tpu.memref_squeeze %dma_start3A_21 : memref<1x112xi32, #tpu.memory_space<vmem>> -> memref<112xi32, #tpu.memory_space<vmem>>
    %dma_start3A_23 = arith.constant 0 : i32
    %dma_start3A_24 = arith.constant 0 : i32
    %dma_start3A_25 = tpu.memref_slice %arg2[%dma_start3A_23, %dma_start3A_24] : memref<12544x128xf32, #tpu.memory_space<hbm>> -> memref<12544x128xf32, #tpu.memory_space<hbm>>
    tpu.enqueue_indirect_dma source(%dma_start3A_25 : memref<12544x128xf32, #tpu.memory_space<hbm>>) target(%dma_start3A_19 : memref<112x128xf32, #tpu.memory_space<vmem>>) offsets(%dma_start3A_22 : memref<112xi32, #tpu.memory_space<vmem>>) semaphore(%arg7 : memref<!tpu.dma_semaphore, #tpu.memory_space<semaphore_mem>>)
    %dma_start3A_26 = arith.constant 2 : i32
    %dma_start3A_27 = arith.constant 2 : i32
    %dma_start3A_28 = arith.constant 0 : i32
    %dma_start3A_29 = arith.constant 0 : i32
    %dma_start3A_30 = tpu.memref_slice %arg6[%dma_start3A_27, %dma_start3A_28, %dma_start3A_29] : memref<8x112x128xf32, #tpu.memory_space<vmem>> -> memref<1x112x128xf32, #tpu.memory_space<vmem>>
    %dma_start3A_31 = tpu.memref_squeeze %dma_start3A_30 : memref<1x112x128xf32, #tpu.memory_space<vmem>> -> memref<112x128xf32, #tpu.memory_space<vmem>>
    %dma_start3A_32 = arith.constant 0 : i32
    %dma_start3A_33 = tpu.memref_slice %arg5[%dma_start3A_26, %dma_start3A_32] : memref<14x112xi32, #tpu.memory_space<vmem>> -> memref<1x112xi32, #tpu.memory_space<vmem>>
    %dma_start3A_34 = tpu.memref_squeeze %dma_start3A_33 : memref<1x112xi32, #tpu.memory_space<vmem>> -> memref<112xi32, #tpu.memory_space<vmem>>
    %dma_start3A_35 = arith.constant 0 : i32
    %dma_start3A_36 = arith.constant 0 : i32
    %dma_start3A_37 = tpu.memref_slice %arg2[%dma_start3A_35, %dma_start3A_36] : memref<12544x128xf32, #tpu.memory_space<hbm>> -> memref<12544x128xf32, #tpu.memory_space<hbm>>
    tpu.enqueue_indirect_dma source(%dma_start3A_37 : memref<12544x128xf32, #tpu.memory_space<hbm>>) target(%dma_start3A_31 : memref<112x128xf32, #tpu.memory_space<vmem>>) offsets(%dma_start3A_34 : memref<112xi32, #tpu.memory_space<vmem>>) semaphore(%arg7 : memref<!tpu.dma_semaphore, #tpu.memory_space<semaphore_mem>>)
    %dma_start3A_38 = arith.constant 3 : i32
    %dma_start3A_39 = arith.constant 3 : i32
    %dma_start3A_40 = arith.constant 0 : i32
    %dma_start3A_41 = arith.constant 0 : i32
    %dma_start3A_42 = tpu.memref_slice %arg6[%dma_start3A_39, %dma_start3A_40, %dma_start3A_41] : memref<8x112x128xf32, #tpu.memory_space<vmem>> -> memref<1x112x128xf32, #tpu.memory_space<vmem>>
    %dma_start3A_43 = tpu.memref_squeeze %dma_start3A_42 : memref<1x112x128xf32, #tpu.memory_space<vmem>> -> memref<112x128xf32, #tpu.memory_space<vmem>>
    %dma_start3A_44 = arith.constant 0 : i32
    %dma_start3A_45 = tpu.memref_slice %arg5[%dma_start3A_38, %dma_start3A_44] : memref<14x112xi32, #tpu.memory_space<vmem>> -> memref<1x112xi32, #tpu.memory_space<vmem>>
    %dma_start3A_46 = tpu.memref_squeeze %dma_start3A_45 : memref<1x112xi32, #tpu.memory_space<vmem>> -> memref<112xi32, #tpu.memory_space<vmem>>
    %dma_start3A_47 = arith.constant 0 : i32
    %dma_start3A_48 = arith.constant 0 : i32
    %dma_start3A_49 = tpu.memref_slice %arg2[%dma_start3A_47, %dma_start3A_48] : memref<12544x128xf32, #tpu.memory_space<hbm>> -> memref<12544x128xf32, #tpu.memory_space<hbm>>
    tpu.enqueue_indirect_dma source(%dma_start3A_49 : memref<12544x128xf32, #tpu.memory_space<hbm>>) target(%dma_start3A_43 : memref<112x128xf32, #tpu.memory_space<vmem>>) offsets(%dma_start3A_46 : memref<112xi32, #tpu.memory_space<vmem>>) semaphore(%arg7 : memref<!tpu.dma_semaphore, #tpu.memory_space<semaphore_mem>>)
    %dma_start3A_50 = arith.constant 4 : i32
    %dma_start3A_51 = arith.constant 4 : i32
    %dma_start3A_52 = arith.constant 0 : i32
    %dma_start3A_53 = arith.constant 0 : i32
    %dma_start3A_54 = tpu.memref_slice %arg6[%dma_start3A_51, %dma_start3A_52, %dma_start3A_53] : memref<8x112x128xf32, #tpu.memory_space<vmem>> -> memref<1x112x128xf32, #tpu.memory_space<vmem>>
    %dma_start3A_55 = tpu.memref_squeeze %dma_start3A_54 : memref<1x112x128xf32, #tpu.memory_space<vmem>> -> memref<112x128xf32, #tpu.memory_space<vmem>>
    %dma_start3A_56 = arith.constant 0 : i32
    %dma_start3A_57 = tpu.memref_slice %arg5[%dma_start3A_50, %dma_start3A_56] : memref<14x112xi32, #tpu.memory_space<vmem>> -> memref<1x112xi32, #tpu.memory_space<vmem>>
    %dma_start3A_58 = tpu.memref_squeeze %dma_start3A_57 : memref<1x112xi32, #tpu.memory_space<vmem>> -> memref<112xi32, #tpu.memory_space<vmem>>
    %dma_start3A_59 = arith.constant 0 : i32
    %dma_start3A_60 = arith.constant 0 : i32
    %dma_start3A_61 = tpu.memref_slice %arg2[%dma_start3A_59, %dma_start3A_60] : memref<12544x128xf32, #tpu.memory_space<hbm>> -> memref<12544x128xf32, #tpu.memory_space<hbm>>
    tpu.enqueue_indirect_dma source(%dma_start3A_61 : memref<12544x128xf32, #tpu.memory_space<hbm>>) target(%dma_start3A_55 : memref<112x128xf32, #tpu.memory_space<vmem>>) offsets(%dma_start3A_58 : memref<112xi32, #tpu.memory_space<vmem>>) semaphore(%arg7 : memref<!tpu.dma_semaphore, #tpu.memory_space<semaphore_mem>>)
    %dma_start3A_62 = arith.constant 5 : i32
    %dma_start3A_63 = arith.constant 5 : i32
    %dma_start3A_64 = arith.constant 0 : i32
    %dma_start3A_65 = arith.constant 0 : i32
    %dma_start3A_66 = tpu.memref_slice %arg6[%dma_start3A_63, %dma_start3A_64, %dma_start3A_65] : memref<8x112x128xf32, #tpu.memory_space<vmem>> -> memref<1x112x128xf32, #tpu.memory_space<vmem>>
    %dma_start3A_67 = tpu.memref_squeeze %dma_start3A_66 : memref<1x112x128xf32, #tpu.memory_space<vmem>> -> memref<112x128xf32, #tpu.memory_space<vmem>>
    %dma_start3A_68 = arith.constant 0 : i32
    %dma_start3A_69 = tpu.memref_slice %arg5[%dma_start3A_62, %dma_start3A_68] : memref<14x112xi32, #tpu.memory_space<vmem>> -> memref<1x112xi32, #tpu.memory_space<vmem>>
    %dma_start3A_70 = tpu.memref_squeeze %dma_start3A_69 : memref<1x112xi32, #tpu.memory_space<vmem>> -> memref<112xi32, #tpu.memory_space<vmem>>
    %dma_start3A_71 = arith.constant 0 : i32
    %dma_start3A_72 = arith.constant 0 : i32
    %dma_start3A_73 = tpu.memref_slice %arg2[%dma_start3A_71, %dma_start3A_72] : memref<12544x128xf32, #tpu.memory_space<hbm>> -> memref<12544x128xf32, #tpu.memory_space<hbm>>
    tpu.enqueue_indirect_dma source(%dma_start3A_73 : memref<12544x128xf32, #tpu.memory_space<hbm>>) target(%dma_start3A_67 : memref<112x128xf32, #tpu.memory_space<vmem>>) offsets(%dma_start3A_70 : memref<112xi32, #tpu.memory_space<vmem>>) semaphore(%arg7 : memref<!tpu.dma_semaphore, #tpu.memory_space<semaphore_mem>>)
    %dma_start3A_74 = arith.constant 6 : i32
    %dma_start3A_75 = arith.constant 6 : i32
    %dma_start3A_76 = arith.constant 0 : i32
    %dma_start3A_77 = arith.constant 0 : i32
    %dma_start3A_78 = tpu.memref_slice %arg6[%dma_start3A_75, %dma_start3A_76, %dma_start3A_77] : memref<8x112x128xf32, #tpu.memory_space<vmem>> -> memref<1x112x128xf32, #tpu.memory_space<vmem>>
    %dma_start3A_79 = tpu.memref_squeeze %dma_start3A_78 : memref<1x112x128xf32, #tpu.memory_space<vmem>> -> memref<112x128xf32, #tpu.memory_space<vmem>>
    %dma_start3A_80 = arith.constant 0 : i32
    %dma_start3A_81 = tpu.memref_slice %arg5[%dma_start3A_74, %dma_start3A_80] : memref<14x112xi32, #tpu.memory_space<vmem>> -> memref<1x112xi32, #tpu.memory_space<vmem>>
    %dma_start3A_82 = tpu.memref_squeeze %dma_start3A_81 : memref<1x112xi32, #tpu.memory_space<vmem>> -> memref<112xi32, #tpu.memory_space<vmem>>
    %dma_start3A_83 = arith.constant 0 : i32
    %dma_start3A_84 = arith.constant 0 : i32
    %dma_start3A_85 = tpu.memref_slice %arg2[%dma_start3A_83, %dma_start3A_84] : memref<12544x128xf32, #tpu.memory_space<hbm>> -> memref<12544x128xf32, #tpu.memory_space<hbm>>
    tpu.enqueue_indirect_dma source(%dma_start3A_85 : memref<12544x128xf32, #tpu.memory_space<hbm>>) target(%dma_start3A_79 : memref<112x128xf32, #tpu.memory_space<vmem>>) offsets(%dma_start3A_82 : memref<112xi32, #tpu.memory_space<vmem>>) semaphore(%arg7 : memref<!tpu.dma_semaphore, #tpu.memory_space<semaphore_mem>>)
    %dma_start3A_86 = arith.constant 7 : i32
    %dma_start3A_87 = arith.constant 7 : i32
    %dma_start3A_88 = arith.constant 0 : i32
    %dma_start3A_89 = arith.constant 0 : i32
    %dma_start3A_90 = tpu.memref_slice %arg6[%dma_start3A_87, %dma_start3A_88, %dma_start3A_89] : memref<8x112x128xf32, #tpu.memory_space<vmem>> -> memref<1x112x128xf32, #tpu.memory_space<vmem>>
    %dma_start3A_91 = tpu.memref_squeeze %dma_start3A_90 : memref<1x112x128xf32, #tpu.memory_space<vmem>> -> memref<112x128xf32, #tpu.memory_space<vmem>>
    %dma_start3A_92 = arith.constant 0 : i32
    %dma_start3A_93 = tpu.memref_slice %arg5[%dma_start3A_86, %dma_start3A_92] : memref<14x112xi32, #tpu.memory_space<vmem>> -> memref<1x112xi32, #tpu.memory_space<vmem>>
    %dma_start3A_94 = tpu.memref_squeeze %dma_start3A_93 : memref<1x112xi32, #tpu.memory_space<vmem>> -> memref<112xi32, #tpu.memory_space<vmem>>
    %dma_start3A_95 = arith.constant 0 : i32
    %dma_start3A_96 = arith.constant 0 : i32
    %dma_start3A_97 = tpu.memref_slice %arg2[%dma_start3A_95, %dma_start3A_96] : memref<12544x128xf32, #tpu.memory_space<hbm>> -> memref<12544x128xf32, #tpu.memory_space<hbm>>
    tpu.enqueue_indirect_dma source(%dma_start3A_97 : memref<12544x128xf32, #tpu.memory_space<hbm>>) target(%dma_start3A_91 : memref<112x128xf32, #tpu.memory_space<vmem>>) offsets(%dma_start3A_94 : memref<112xi32, #tpu.memory_space<vmem>>) semaphore(%arg7 : memref<!tpu.dma_semaphore, #tpu.memory_space<semaphore_mem>>)
    %dma_wait3A = arith.constant 0 : i32
    %dma_wait3A_98 = arith.constant 0 : i32
    %dma_wait3A_99 = arith.constant 0 : i32
    %dma_wait3A_100 = arith.constant 0 : i32
    %dma_wait3A_101 = tpu.memref_slice %arg6[%dma_wait3A_98, %dma_wait3A_99, %dma_wait3A_100] : memref<8x112x128xf32, #tpu.memory_space<vmem>> -> memref<1x112x128xf32, #tpu.memory_space<vmem>>
    %dma_wait3A_102 = tpu.memref_squeeze %dma_wait3A_101 : memref<1x112x128xf32, #tpu.memory_space<vmem>> -> memref<112x128xf32, #tpu.memory_space<vmem>>
    %dma_wait3A_103 = arith.constant 0 : i32
    %dma_wait3A_104 = tpu.memref_slice %arg5[%dma_wait3A, %dma_wait3A_103] : memref<14x112xi32, #tpu.memory_space<vmem>> -> memref<1x112xi32, #tpu.memory_space<vmem>>
    %dma_wait3A_105 = tpu.memref_squeeze %dma_wait3A_104 : memref<1x112xi32, #tpu.memory_space<vmem>> -> memref<112xi32, #tpu.memory_space<vmem>>
    %dma_wait3A_106 = arith.constant 0 : i32
    %dma_wait3A_107 = arith.constant 0 : i32
    %dma_wait3A_108 = tpu.memref_slice %arg2[%dma_wait3A_106, %dma_wait3A_107] : memref<12544x128xf32, #tpu.memory_space<hbm>> -> memref<12544x128xf32, #tpu.memory_space<hbm>>
    tpu.wait_indirect_dma semaphore(%arg7 : memref<!tpu.dma_semaphore, #tpu.memory_space<semaphore_mem>>) src(%dma_wait3A_108 : memref<12544x128xf32, #tpu.memory_space<hbm>>) dst(%dma_wait3A_102 : memref<112x128xf32, #tpu.memory_space<vmem>>)
    %add3A_109 = arith.constant 0 : i32
    %add3A_110 = arith.addi %mul3A_2, %add3A_109 : i32
    %dma_start3A_111 = arith.constant 0 : i32
    %dma_start3A_112 = arith.constant 0 : i32
    %dma_start3A_113 = arith.constant 0 : i32
    %dma_start3A_114 = tpu.memref_slice %arg6[%dma_start3A_111, %dma_start3A_112, %dma_start3A_113] : memref<8x112x128xf32, #tpu.memory_space<vmem>> -> memref<1x112x128xf32, #tpu.memory_space<vmem>>
    %dma_start3A_115 = tpu.memref_squeeze %dma_start3A_114 : memref<1x112x128xf32, #tpu.memory_space<vmem>> -> memref<112x128xf32, #tpu.memory_space<vmem>>
    %dma_start3A_116 = arith.constant 0 : i32
    %dma_start3A_117 = tpu.memref_slice %arg4[%add3A_110, %dma_start3A_116] : memref<50176x128xf32, #tpu.memory_space<hbm>> -> memref<112x128xf32, #tpu.memory_space<hbm>>
    %dma_start3A_118 = arith.constant 0 : i32
    %dma_start3A_119 = tpu.memref_slice %arg4[%add3A_110, %dma_start3A_118] : memref<50176x128xf32, #tpu.memory_space<hbm>> -> memref<112x128xf32, #tpu.memory_space<hbm>>
    %dma_start3A_120 = arith.constant 0 : i32
    %dma_start3A_121 = arith.constant 0 : i32
    %dma_start3A_122 = tpu.memref_slice %arg6[%dma_start3A_111, %dma_start3A_120, %dma_start3A_121] : memref<8x112x128xf32, #tpu.memory_space<vmem>> -> memref<1x112x128xf32, #tpu.memory_space<vmem>>
    %dma_start3A_123 = tpu.memref_squeeze %dma_start3A_122 : memref<1x112x128xf32, #tpu.memory_space<vmem>> -> memref<112x128xf32, #tpu.memory_space<vmem>>
    tpu.enqueue_dma source(%dma_start3A_123 : memref<112x128xf32, #tpu.memory_space<vmem>>) target(%dma_start3A_119 : memref<112x128xf32, #tpu.memory_space<hbm>>) target_semaphore(%arg8 : memref<!tpu.dma_semaphore, #tpu.memory_space<semaphore_mem>>)
    %dma_wait3A_124 = arith.constant 0 : i32
    %dma_wait3A_125 = arith.constant 0 : i32
    %dma_wait3A_126 = arith.constant 0 : i32
    %dma_wait3A_127 = tpu.memref_slice %arg6[%dma_wait3A_124, %dma_wait3A_125, %dma_wait3A_126] : memref<8x112x128xf32, #tpu.memory_space<vmem>> -> memref<1x112x128xf32, #tpu.memory_space<vmem>>
    %dma_wait3A_128 = tpu.memref_squeeze %dma_wait3A_127 : memref<1x112x128xf32, #tpu.memory_space<vmem>> -> memref<112x128xf32, #tpu.memory_space<vmem>>
    %dma_wait3A_129 = arith.constant 0 : i32
    %dma_wait3A_130 = tpu.memref_slice %arg4[%add3A_110, %dma_wait3A_129] : memref<50176x128xf32, #tpu.memory_space<hbm>> -> memref<112x128xf32, #tpu.memory_space<hbm>>
    %dma_wait3A_131 = arith.constant 0 : i32
    %dma_wait3A_132 = tpu.memref_slice %arg4[%add3A_110, %dma_wait3A_131] : memref<50176x128xf32, #tpu.memory_space<hbm>> -> memref<112x128xf32, #tpu.memory_space<hbm>>
    %dma_wait3A_133 = arith.constant 0 : i32
    %dma_wait3A_134 = arith.constant 0 : i32
    %dma_wait3A_135 = tpu.memref_slice %arg6[%dma_wait3A_124, %dma_wait3A_133, %dma_wait3A_134] : memref<8x112x128xf32, #tpu.memory_space<vmem>> -> memref<1x112x128xf32, #tpu.memory_space<vmem>>
    %dma_wait3A_136 = tpu.memref_squeeze %dma_wait3A_135 : memref<1x112x128xf32, #tpu.memory_space<vmem>> -> memref<112x128xf32, #tpu.memory_space<vmem>>
    tpu.wait_dma2 semaphore(%arg8 : memref<!tpu.dma_semaphore, #tpu.memory_space<semaphore_mem>>) src(%dma_wait3A_136 : memref<112x128xf32, #tpu.memory_space<vmem>>) dst(%dma_wait3A_132 : memref<112x128xf32, #tpu.memory_space<hbm>>)
    %dma_start3A_137 = arith.constant 8 : i32
    %dma_start3A_138 = arith.constant 0 : i32
    %dma_start3A_139 = arith.constant 0 : i32
    %dma_start3A_140 = arith.constant 0 : i32
    %dma_start3A_141 = tpu.memref_slice %arg6[%dma_start3A_138, %dma_start3A_139, %dma_start3A_140] : memref<8x112x128xf32, #tpu.memory_space<vmem>> -> memref<1x112x128xf32, #tpu.memory_space<vmem>>
    %dma_start3A_142 = tpu.memref_squeeze %dma_start3A_141 : memref<1x112x128xf32, #tpu.memory_space<vmem>> -> memref<112x128xf32, #tpu.memory_space<vmem>>
    %dma_start3A_143 = arith.constant 0 : i32
    %dma_start3A_144 = tpu.memref_slice %arg5[%dma_start3A_137, %dma_start3A_143] : memref<14x112xi32, #tpu.memory_space<vmem>> -> memref<1x112xi32, #tpu.memory_space<vmem>>
    %dma_start3A_145 = tpu.memref_squeeze %dma_start3A_144 : memref<1x112xi32, #tpu.memory_space<vmem>> -> memref<112xi32, #tpu.memory_space<vmem>>
    %dma_start3A_146 = arith.constant 0 : i32
    %dma_start3A_147 = arith.constant 0 : i32
    %dma_start3A_148 = tpu.memref_slice %arg2[%dma_start3A_146, %dma_start3A_147] : memref<12544x128xf32, #tpu.memory_space<hbm>> -> memref<12544x128xf32, #tpu.memory_space<hbm>>
    tpu.enqueue_indirect_dma source(%dma_start3A_148 : memref<12544x128xf32, #tpu.memory_space<hbm>>) target(%dma_start3A_142 : memref<112x128xf32, #tpu.memory_space<vmem>>) offsets(%dma_start3A_145 : memref<112xi32, #tpu.memory_space<vmem>>) semaphore(%arg7 : memref<!tpu.dma_semaphore, #tpu.memory_space<semaphore_mem>>)
    %dma_wait3A_149 = arith.constant 1 : i32
    %dma_wait3A_150 = arith.constant 1 : i32
    %dma_wait3A_151 = arith.constant 0 : i32
    %dma_wait3A_152 = arith.constant 0 : i32
    %dma_wait3A_153 = tpu.memref_slice %arg6[%dma_wait3A_150, %dma_wait3A_151, %dma_wait3A_152] : memref<8x112x128xf32, #tpu.memory_space<vmem>> -> memref<1x112x128xf32, #tpu.memory_space<vmem>>
    %dma_wait3A_154 = tpu.memref_squeeze %dma_wait3A_153 : memref<1x112x128xf32, #tpu.memory_space<vmem>> -> memref<112x128xf32, #tpu.memory_space<vmem>>
    %dma_wait3A_155 = arith.constant 0 : i32
    %dma_wait3A_156 = tpu.memref_slice %arg5[%dma_wait3A_149, %dma_wait3A_155] : memref<14x112xi32, #tpu.memory_space<vmem>> -> memref<1x112xi32, #tpu.memory_space<vmem>>
    %dma_wait3A_157 = tpu.memref_squeeze %dma_wait3A_156 : memref<1x112xi32, #tpu.memory_space<vmem>> -> memref<112xi32, #tpu.memory_space<vmem>>
    %dma_wait3A_158 = arith.constant 0 : i32
    %dma_wait3A_159 = arith.constant 0 : i32
    %dma_wait3A_160 = tpu.memref_slice %arg2[%dma_wait3A_158, %dma_wait3A_159] : memref<12544x128xf32, #tpu.memory_space<hbm>> -> memref<12544x128xf32, #tpu.memory_space<hbm>>
    tpu.wait_indirect_dma semaphore(%arg7 : memref<!tpu.dma_semaphore, #tpu.memory_space<semaphore_mem>>) src(%dma_wait3A_160 : memref<12544x128xf32, #tpu.memory_space<hbm>>) dst(%dma_wait3A_154 : memref<112x128xf32, #tpu.memory_space<vmem>>)
    %add3A_161 = arith.constant 112 : i32
    %add3A_162 = arith.addi %mul3A_2, %add3A_161 : i32
    %dma_start3A_163 = arith.constant 1 : i32
    %dma_start3A_164 = arith.constant 0 : i32
    %dma_start3A_165 = arith.constant 0 : i32
    %dma_start3A_166 = tpu.memref_slice %arg6[%dma_start3A_163, %dma_start3A_164, %dma_start3A_165] : memref<8x112x128xf32, #tpu.memory_space<vmem>> -> memref<1x112x128xf32, #tpu.memory_space<vmem>>
    %dma_start3A_167 = tpu.memref_squeeze %dma_start3A_166 : memref<1x112x128xf32, #tpu.memory_space<vmem>> -> memref<112x128xf32, #tpu.memory_space<vmem>>
    %dma_start3A_168 = arith.constant 0 : i32
    %dma_start3A_169 = tpu.memref_slice %arg4[%add3A_162, %dma_start3A_168] : memref<50176x128xf32, #tpu.memory_space<hbm>> -> memref<112x128xf32, #tpu.memory_space<hbm>>
    %dma_start3A_170 = arith.constant 0 : i32
    %dma_start3A_171 = tpu.memref_slice %arg4[%add3A_162, %dma_start3A_170] : memref<50176x128xf32, #tpu.memory_space<hbm>> -> memref<112x128xf32, #tpu.memory_space<hbm>>
    %dma_start3A_172 = arith.constant 0 : i32
    %dma_start3A_173 = arith.constant 0 : i32
    %dma_start3A_174 = tpu.memref_slice %arg6[%dma_start3A_163, %dma_start3A_172, %dma_start3A_173] : memref<8x112x128xf32, #tpu.memory_space<vmem>> -> memref<1x112x128xf32, #tpu.memory_space<vmem>>
    %dma_start3A_175 = tpu.memref_squeeze %dma_start3A_174 : memref<1x112x128xf32, #tpu.memory_space<vmem>> -> memref<112x128xf32, #tpu.memory_space<vmem>>
    tpu.enqueue_dma source(%dma_start3A_175 : memref<112x128xf32, #tpu.memory_space<vmem>>) target(%dma_start3A_171 : memref<112x128xf32, #tpu.memory_space<hbm>>) target_semaphore(%arg8 : memref<!tpu.dma_semaphore, #tpu.memory_space<semaphore_mem>>)
    %dma_wait3A_176 = arith.constant 1 : i32
    %dma_wait3A_177 = arith.constant 0 : i32
    %dma_wait3A_178 = arith.constant 0 : i32
    %dma_wait3A_179 = tpu.memref_slice %arg6[%dma_wait3A_176, %dma_wait3A_177, %dma_wait3A_178] : memref<8x112x128xf32, #tpu.memory_space<vmem>> -> memref<1x112x128xf32, #tpu.memory_space<vmem>>
    %dma_wait3A_180 = tpu.memref_squeeze %dma_wait3A_179 : memref<1x112x128xf32, #tpu.memory_space<vmem>> -> memref<112x128xf32, #tpu.memory_space<vmem>>
    %dma_wait3A_181 = arith.constant 0 : i32
    %dma_wait3A_182 = tpu.memref_slice %arg4[%add3A_162, %dma_wait3A_181] : memref<50176x128xf32, #tpu.memory_space<hbm>> -> memref<112x128xf32, #tpu.memory_space<hbm>>
    %dma_wait3A_183 = arith.constant 0 : i32
    %dma_wait3A_184 = tpu.memref_slice %arg4[%add3A_162, %dma_wait3A_183] : memref<50176x128xf32, #tpu.memory_space<hbm>> -> memref<112x128xf32, #tpu.memory_space<hbm>>
    %dma_wait3A_185 = arith.constant 0 : i32
    %dma_wait3A_186 = arith.constant 0 : i32
    %dma_wait3A_187 = tpu.memref_slice %arg6[%dma_wait3A_176, %dma_wait3A_185, %dma_wait3A_186] : memref<8x112x128xf32, #tpu.memory_space<vmem>> -> memref<1x112x128xf32, #tpu.memory_space<vmem>>
    %dma_wait3A_188 = tpu.memref_squeeze %dma_wait3A_187 : memref<1x112x128xf32, #tpu.memory_space<vmem>> -> memref<112x128xf32, #tpu.memory_space<vmem>>
    tpu.wait_dma2 semaphore(%arg8 : memref<!tpu.dma_semaphore, #tpu.memory_space<semaphore_mem>>) src(%dma_wait3A_188 : memref<112x128xf32, #tpu.memory_space<vmem>>) dst(%dma_wait3A_184 : memref<112x128xf32, #tpu.memory_space<hbm>>)
    %dma_start3A_189 = arith.constant 9 : i32
    %dma_start3A_190 = arith.constant 1 : i32
    %dma_start3A_191 = arith.constant 0 : i32
    %dma_start3A_192 = arith.constant 0 : i32
    %dma_start3A_193 = tpu.memref_slice %arg6[%dma_start3A_190, %dma_start3A_191, %dma_start3A_192] : memref<8x112x128xf32, #tpu.memory_space<vmem>> -> memref<1x112x128xf32, #tpu.memory_space<vmem>>
    %dma_start3A_194 = tpu.memref_squeeze %dma_start3A_193 : memref<1x112x128xf32, #tpu.memory_space<vmem>> -> memref<112x128xf32, #tpu.memory_space<vmem>>
    %dma_start3A_195 = arith.constant 0 : i32
    %dma_start3A_196 = tpu.memref_slice %arg5[%dma_start3A_189, %dma_start3A_195] : memref<14x112xi32, #tpu.memory_space<vmem>> -> memref<1x112xi32, #tpu.memory_space<vmem>>
    %dma_start3A_197 = tpu.memref_squeeze %dma_start3A_196 : memref<1x112xi32, #tpu.memory_space<vmem>> -> memref<112xi32, #tpu.memory_space<vmem>>
    %dma_start3A_198 = arith.constant 0 : i32
    %dma_start3A_199 = arith.constant 0 : i32
    %dma_start3A_200 = tpu.memref_slice %arg2[%dma_start3A_198, %dma_start3A_199] : memref<12544x128xf32, #tpu.memory_space<hbm>> -> memref<12544x128xf32, #tpu.memory_space<hbm>>
    tpu.enqueue_indirect_dma source(%dma_start3A_200 : memref<12544x128xf32, #tpu.memory_space<hbm>>) target(%dma_start3A_194 : memref<112x128xf32, #tpu.memory_space<vmem>>) offsets(%dma_start3A_197 : memref<112xi32, #tpu.memory_space<vmem>>) semaphore(%arg7 : memref<!tpu.dma_semaphore, #tpu.memory_space<semaphore_mem>>)
    %dma_wait3A_201 = arith.constant 2 : i32
    %dma_wait3A_202 = arith.constant 2 : i32
    %dma_wait3A_203 = arith.constant 0 : i32
    %dma_wait3A_204 = arith.constant 0 : i32
    %dma_wait3A_205 = tpu.memref_slice %arg6[%dma_wait3A_202, %dma_wait3A_203, %dma_wait3A_204] : memref<8x112x128xf32, #tpu.memory_space<vmem>> -> memref<1x112x128xf32, #tpu.memory_space<vmem>>
    %dma_wait3A_206 = tpu.memref_squeeze %dma_wait3A_205 : memref<1x112x128xf32, #tpu.memory_space<vmem>> -> memref<112x128xf32, #tpu.memory_space<vmem>>
    %dma_wait3A_207 = arith.constant 0 : i32
    %dma_wait3A_208 = tpu.memref_slice %arg5[%dma_wait3A_201, %dma_wait3A_207] : memref<14x112xi32, #tpu.memory_space<vmem>> -> memref<1x112xi32, #tpu.memory_space<vmem>>
    %dma_wait3A_209 = tpu.memref_squeeze %dma_wait3A_208 : memref<1x112xi32, #tpu.memory_space<vmem>> -> memref<112xi32, #tpu.memory_space<vmem>>
    %dma_wait3A_210 = arith.constant 0 : i32
    %dma_wait3A_211 = arith.constant 0 : i32
    %dma_wait3A_212 = tpu.memref_slice %arg2[%dma_wait3A_210, %dma_wait3A_211] : memref<12544x128xf32, #tpu.memory_space<hbm>> -> memref<12544x128xf32, #tpu.memory_space<hbm>>
    tpu.wait_indirect_dma semaphore(%arg7 : memref<!tpu.dma_semaphore, #tpu.memory_space<semaphore_mem>>) src(%dma_wait3A_212 : memref<12544x128xf32, #tpu.memory_space<hbm>>) dst(%dma_wait3A_206 : memref<112x128xf32, #tpu.memory_space<vmem>>)
    %add3A_213 = arith.constant 224 : i32
    %add3A_214 = arith.addi %mul3A_2, %add3A_213 : i32
    %dma_start3A_215 = arith.constant 2 : i32
    %dma_start3A_216 = arith.constant 0 : i32
    %dma_start3A_217 = arith.constant 0 : i32
    %dma_start3A_218 = tpu.memref_slice %arg6[%dma_start3A_215, %dma_start3A_216, %dma_start3A_217] : memref<8x112x128xf32, #tpu.memory_space<vmem>> -> memref<1x112x128xf32, #tpu.memory_space<vmem>>
    %dma_start3A_219 = tpu.memref_squeeze %dma_start3A_218 : memref<1x112x128xf32, #tpu.memory_space<vmem>> -> memref<112x128xf32, #tpu.memory_space<vmem>>
    %dma_start3A_220 = arith.constant 0 : i32
    %dma_start3A_221 = tpu.memref_slice %arg4[%add3A_214, %dma_start3A_220] : memref<50176x128xf32, #tpu.memory_space<hbm>> -> memref<112x128xf32, #tpu.memory_space<hbm>>
    %dma_start3A_222 = arith.constant 0 : i32
    %dma_start3A_223 = tpu.memref_slice %arg4[%add3A_214, %dma_start3A_222] : memref<50176x128xf32, #tpu.memory_space<hbm>> -> memref<112x128xf32, #tpu.memory_space<hbm>>
    %dma_start3A_224 = arith.constant 0 : i32
    %dma_start3A_225 = arith.constant 0 : i32
    %dma_start3A_226 = tpu.memref_slice %arg6[%dma_start3A_215, %dma_start3A_224, %dma_start3A_225] : memref<8x112x128xf32, #tpu.memory_space<vmem>> -> memref<1x112x128xf32, #tpu.memory_space<vmem>>
    %dma_start3A_227 = tpu.memref_squeeze %dma_start3A_226 : memref<1x112x128xf32, #tpu.memory_space<vmem>> -> memref<112x128xf32, #tpu.memory_space<vmem>>
    tpu.enqueue_dma source(%dma_start3A_227 : memref<112x128xf32, #tpu.memory_space<vmem>>) target(%dma_start3A_223 : memref<112x128xf32, #tpu.memory_space<hbm>>) target_semaphore(%arg8 : memref<!tpu.dma_semaphore, #tpu.memory_space<semaphore_mem>>)
    %dma_wait3A_228 = arith.constant 2 : i32
    %dma_wait3A_229 = arith.constant 0 : i32
    %dma_wait3A_230 = arith.constant 0 : i32
    %dma_wait3A_231 = tpu.memref_slice %arg6[%dma_wait3A_228, %dma_wait3A_229, %dma_wait3A_230] : memref<8x112x128xf32, #tpu.memory_space<vmem>> -> memref<1x112x128xf32, #tpu.memory_space<vmem>>
    %dma_wait3A_232 = tpu.memref_squeeze %dma_wait3A_231 : memref<1x112x128xf32, #tpu.memory_space<vmem>> -> memref<112x128xf32, #tpu.memory_space<vmem>>
    %dma_wait3A_233 = arith.constant 0 : i32
    %dma_wait3A_234 = tpu.memref_slice %arg4[%add3A_214, %dma_wait3A_233] : memref<50176x128xf32, #tpu.memory_space<hbm>> -> memref<112x128xf32, #tpu.memory_space<hbm>>
    %dma_wait3A_235 = arith.constant 0 : i32
    %dma_wait3A_236 = tpu.memref_slice %arg4[%add3A_214, %dma_wait3A_235] : memref<50176x128xf32, #tpu.memory_space<hbm>> -> memref<112x128xf32, #tpu.memory_space<hbm>>
    %dma_wait3A_237 = arith.constant 0 : i32
    %dma_wait3A_238 = arith.constant 0 : i32
    %dma_wait3A_239 = tpu.memref_slice %arg6[%dma_wait3A_228, %dma_wait3A_237, %dma_wait3A_238] : memref<8x112x128xf32, #tpu.memory_space<vmem>> -> memref<1x112x128xf32, #tpu.memory_space<vmem>>
    %dma_wait3A_240 = tpu.memref_squeeze %dma_wait3A_239 : memref<1x112x128xf32, #tpu.memory_space<vmem>> -> memref<112x128xf32, #tpu.memory_space<vmem>>
    tpu.wait_dma2 semaphore(%arg8 : memref<!tpu.dma_semaphore, #tpu.memory_space<semaphore_mem>>) src(%dma_wait3A_240 : memref<112x128xf32, #tpu.memory_space<vmem>>) dst(%dma_wait3A_236 : memref<112x128xf32, #tpu.memory_space<hbm>>)
    %dma_start3A_241 = arith.constant 10 : i32
    %dma_start3A_242 = arith.constant 2 : i32
    %dma_start3A_243 = arith.constant 0 : i32
    %dma_start3A_244 = arith.constant 0 : i32
    %dma_start3A_245 = tpu.memref_slice %arg6[%dma_start3A_242, %dma_start3A_243, %dma_start3A_244] : memref<8x112x128xf32, #tpu.memory_space<vmem>> -> memref<1x112x128xf32, #tpu.memory_space<vmem>>
    %dma_start3A_246 = tpu.memref_squeeze %dma_start3A_245 : memref<1x112x128xf32, #tpu.memory_space<vmem>> -> memref<112x128xf32, #tpu.memory_space<vmem>>
    %dma_start3A_247 = arith.constant 0 : i32
    %dma_start3A_248 = tpu.memref_slice %arg5[%dma_start3A_241, %dma_start3A_247] : memref<14x112xi32, #tpu.memory_space<vmem>> -> memref<1x112xi32, #tpu.memory_space<vmem>>
    %dma_start3A_249 = tpu.memref_squeeze %dma_start3A_248 : memref<1x112xi32, #tpu.memory_space<vmem>> -> memref<112xi32, #tpu.memory_space<vmem>>
    %dma_start3A_250 = arith.constant 0 : i32
    %dma_start3A_251 = arith.constant 0 : i32
    %dma_start3A_252 = tpu.memref_slice %arg2[%dma_start3A_250, %dma_start3A_251] : memref<12544x128xf32, #tpu.memory_space<hbm>> -> memref<12544x128xf32, #tpu.memory_space<hbm>>
    tpu.enqueue_indirect_dma source(%dma_start3A_252 : memref<12544x128xf32, #tpu.memory_space<hbm>>) target(%dma_start3A_246 : memref<112x128xf32, #tpu.memory_space<vmem>>) offsets(%dma_start3A_249 : memref<112xi32, #tpu.memory_space<vmem>>) semaphore(%arg7 : memref<!tpu.dma_semaphore, #tpu.memory_space<semaphore_mem>>)
    %dma_wait3A_253 = arith.constant 3 : i32
    %dma_wait3A_254 = arith.constant 3 : i32
    %dma_wait3A_255 = arith.constant 0 : i32
    %dma_wait3A_256 = arith.constant 0 : i32
    %dma_wait3A_257 = tpu.memref_slice %arg6[%dma_wait3A_254, %dma_wait3A_255, %dma_wait3A_256] : memref<8x112x128xf32, #tpu.memory_space<vmem>> -> memref<1x112x128xf32, #tpu.memory_space<vmem>>
    %dma_wait3A_258 = tpu.memref_squeeze %dma_wait3A_257 : memref<1x112x128xf32, #tpu.memory_space<vmem>> -> memref<112x128xf32, #tpu.memory_space<vmem>>
    %dma_wait3A_259 = arith.constant 0 : i32
    %dma_wait3A_260 = tpu.memref_slice %arg5[%dma_wait3A_253, %dma_wait3A_259] : memref<14x112xi32, #tpu.memory_space<vmem>> -> memref<1x112xi32, #tpu.memory_space<vmem>>
    %dma_wait3A_261 = tpu.memref_squeeze %dma_wait3A_260 : memref<1x112xi32, #tpu.memory_space<vmem>> -> memref<112xi32, #tpu.memory_space<vmem>>
    %dma_wait3A_262 = arith.constant 0 : i32
    %dma_wait3A_263 = arith.constant 0 : i32
    %dma_wait3A_264 = tpu.memref_slice %arg2[%dma_wait3A_262, %dma_wait3A_263] : memref<12544x128xf32, #tpu.memory_space<hbm>> -> memref<12544x128xf32, #tpu.memory_space<hbm>>
    tpu.wait_indirect_dma semaphore(%arg7 : memref<!tpu.dma_semaphore, #tpu.memory_space<semaphore_mem>>) src(%dma_wait3A_264 : memref<12544x128xf32, #tpu.memory_space<hbm>>) dst(%dma_wait3A_258 : memref<112x128xf32, #tpu.memory_space<vmem>>)
    %add3A_265 = arith.constant 336 : i32
    %add3A_266 = arith.addi %mul3A_2, %add3A_265 : i32
    %dma_start3A_267 = arith.constant 3 : i32
    %dma_start3A_268 = arith.constant 0 : i32
    %dma_start3A_269 = arith.constant 0 : i32
    %dma_start3A_270 = tpu.memref_slice %arg6[%dma_start3A_267, %dma_start3A_268, %dma_start3A_269] : memref<8x112x128xf32, #tpu.memory_space<vmem>> -> memref<1x112x128xf32, #tpu.memory_space<vmem>>
    %dma_start3A_271 = tpu.memref_squeeze %dma_start3A_270 : memref<1x112x128xf32, #tpu.memory_space<vmem>> -> memref<112x128xf32, #tpu.memory_space<vmem>>
    %dma_start3A_272 = arith.constant 0 : i32
    %dma_start3A_273 = tpu.memref_slice %arg4[%add3A_266, %dma_start3A_272] : memref<50176x128xf32, #tpu.memory_space<hbm>> -> memref<112x128xf32, #tpu.memory_space<hbm>>
    %dma_start3A_274 = arith.constant 0 : i32
    %dma_start3A_275 = tpu.memref_slice %arg4[%add3A_266, %dma_start3A_274] : memref<50176x128xf32, #tpu.memory_space<hbm>> -> memref<112x128xf32, #tpu.memory_space<hbm>>
    %dma_start3A_276 = arith.constant 0 : i32
    %dma_start3A_277 = arith.constant 0 : i32
    %dma_start3A_278 = tpu.memref_slice %arg6[%dma_start3A_267, %dma_start3A_276, %dma_start3A_277] : memref<8x112x128xf32, #tpu.memory_space<vmem>> -> memref<1x112x128xf32, #tpu.memory_space<vmem>>
    %dma_start3A_279 = tpu.memref_squeeze %dma_start3A_278 : memref<1x112x128xf32, #tpu.memory_space<vmem>> -> memref<112x128xf32, #tpu.memory_space<vmem>>
    tpu.enqueue_dma source(%dma_start3A_279 : memref<112x128xf32, #tpu.memory_space<vmem>>) target(%dma_start3A_275 : memref<112x128xf32, #tpu.memory_space<hbm>>) target_semaphore(%arg8 : memref<!tpu.dma_semaphore, #tpu.memory_space<semaphore_mem>>)
    %dma_wait3A_280 = arith.constant 3 : i32
    %dma_wait3A_281 = arith.constant 0 : i32
    %dma_wait3A_282 = arith.constant 0 : i32
    %dma_wait3A_283 = tpu.memref_slice %arg6[%dma_wait3A_280, %dma_wait3A_281, %dma_wait3A_282] : memref<8x112x128xf32, #tpu.memory_space<vmem>> -> memref<1x112x128xf32, #tpu.memory_space<vmem>>
    %dma_wait3A_284 = tpu.memref_squeeze %dma_wait3A_283 : memref<1x112x128xf32, #tpu.memory_space<vmem>> -> memref<112x128xf32, #tpu.memory_space<vmem>>
    %dma_wait3A_285 = arith.constant 0 : i32
    %dma_wait3A_286 = tpu.memref_slice %arg4[%add3A_266, %dma_wait3A_285] : memref<50176x128xf32, #tpu.memory_space<hbm>> -> memref<112x128xf32, #tpu.memory_space<hbm>>
    %dma_wait3A_287 = arith.constant 0 : i32
    %dma_wait3A_288 = tpu.memref_slice %arg4[%add3A_266, %dma_wait3A_287] : memref<50176x128xf32, #tpu.memory_space<hbm>> -> memref<112x128xf32, #tpu.memory_space<hbm>>
    %dma_wait3A_289 = arith.constant 0 : i32
    %dma_wait3A_290 = arith.constant 0 : i32
    %dma_wait3A_291 = tpu.memref_slice %arg6[%dma_wait3A_280, %dma_wait3A_289, %dma_wait3A_290] : memref<8x112x128xf32, #tpu.memory_space<vmem>> -> memref<1x112x128xf32, #tpu.memory_space<vmem>>
    %dma_wait3A_292 = tpu.memref_squeeze %dma_wait3A_291 : memref<1x112x128xf32, #tpu.memory_space<vmem>> -> memref<112x128xf32, #tpu.memory_space<vmem>>
    tpu.wait_dma2 semaphore(%arg8 : memref<!tpu.dma_semaphore, #tpu.memory_space<semaphore_mem>>) src(%dma_wait3A_292 : memref<112x128xf32, #tpu.memory_space<vmem>>) dst(%dma_wait3A_288 : memref<112x128xf32, #tpu.memory_space<hbm>>)
    %dma_start3A_293 = arith.constant 11 : i32
    %dma_start3A_294 = arith.constant 3 : i32
    %dma_start3A_295 = arith.constant 0 : i32
    %dma_start3A_296 = arith.constant 0 : i32
    %dma_start3A_297 = tpu.memref_slice %arg6[%dma_start3A_294, %dma_start3A_295, %dma_start3A_296] : memref<8x112x128xf32, #tpu.memory_space<vmem>> -> memref<1x112x128xf32, #tpu.memory_space<vmem>>
    %dma_start3A_298 = tpu.memref_squeeze %dma_start3A_297 : memref<1x112x128xf32, #tpu.memory_space<vmem>> -> memref<112x128xf32, #tpu.memory_space<vmem>>
    %dma_start3A_299 = arith.constant 0 : i32
    %dma_start3A_300 = tpu.memref_slice %arg5[%dma_start3A_293, %dma_start3A_299] : memref<14x112xi32, #tpu.memory_space<vmem>> -> memref<1x112xi32, #tpu.memory_space<vmem>>
    %dma_start3A_301 = tpu.memref_squeeze %dma_start3A_300 : memref<1x112xi32, #tpu.memory_space<vmem>> -> memref<112xi32, #tpu.memory_space<vmem>>
    %dma_start3A_302 = arith.constant 0 : i32
    %dma_start3A_303 = arith.constant 0 : i32
    %dma_start3A_304 = tpu.memref_slice %arg2[%dma_start3A_302, %dma_start3A_303] : memref<12544x128xf32, #tpu.memory_space<hbm>> -> memref<12544x128xf32, #tpu.memory_space<hbm>>
    tpu.enqueue_indirect_dma source(%dma_start3A_304 : memref<12544x128xf32, #tpu.memory_space<hbm>>) target(%dma_start3A_298 : memref<112x128xf32, #tpu.memory_space<vmem>>) offsets(%dma_start3A_301 : memref<112xi32, #tpu.memory_space<vmem>>) semaphore(%arg7 : memref<!tpu.dma_semaphore, #tpu.memory_space<semaphore_mem>>)
    %dma_wait3A_305 = arith.constant 4 : i32
    %dma_wait3A_306 = arith.constant 4 : i32
    %dma_wait3A_307 = arith.constant 0 : i32
    %dma_wait3A_308 = arith.constant 0 : i32
    %dma_wait3A_309 = tpu.memref_slice %arg6[%dma_wait3A_306, %dma_wait3A_307, %dma_wait3A_308] : memref<8x112x128xf32, #tpu.memory_space<vmem>> -> memref<1x112x128xf32, #tpu.memory_space<vmem>>
    %dma_wait3A_310 = tpu.memref_squeeze %dma_wait3A_309 : memref<1x112x128xf32, #tpu.memory_space<vmem>> -> memref<112x128xf32, #tpu.memory_space<vmem>>
    %dma_wait3A_311 = arith.constant 0 : i32
    %dma_wait3A_312 = tpu.memref_slice %arg5[%dma_wait3A_305, %dma_wait3A_311] : memref<14x112xi32, #tpu.memory_space<vmem>> -> memref<1x112xi32, #tpu.memory_space<vmem>>
    %dma_wait3A_313 = tpu.memref_squeeze %dma_wait3A_312 : memref<1x112xi32, #tpu.memory_space<vmem>> -> memref<112xi32, #tpu.memory_space<vmem>>
    %dma_wait3A_314 = arith.constant 0 : i32
    %dma_wait3A_315 = arith.constant 0 : i32
    %dma_wait3A_316 = tpu.memref_slice %arg2[%dma_wait3A_314, %dma_wait3A_315] : memref<12544x128xf32, #tpu.memory_space<hbm>> -> memref<12544x128xf32, #tpu.memory_space<hbm>>
    tpu.wait_indirect_dma semaphore(%arg7 : memref<!tpu.dma_semaphore, #tpu.memory_space<semaphore_mem>>) src(%dma_wait3A_316 : memref<12544x128xf32, #tpu.memory_space<hbm>>) dst(%dma_wait3A_310 : memref<112x128xf32, #tpu.memory_space<vmem>>)
    %add3A_317 = arith.constant 448 : i32
    %add3A_318 = arith.addi %mul3A_2, %add3A_317 : i32
    %dma_start3A_319 = arith.constant 4 : i32
    %dma_start3A_320 = arith.constant 0 : i32
    %dma_start3A_321 = arith.constant 0 : i32
    %dma_start3A_322 = tpu.memref_slice %arg6[%dma_start3A_319, %dma_start3A_320, %dma_start3A_321] : memref<8x112x128xf32, #tpu.memory_space<vmem>> -> memref<1x112x128xf32, #tpu.memory_space<vmem>>
    %dma_start3A_323 = tpu.memref_squeeze %dma_start3A_322 : memref<1x112x128xf32, #tpu.memory_space<vmem>> -> memref<112x128xf32, #tpu.memory_space<vmem>>
    %dma_start3A_324 = arith.constant 0 : i32
    %dma_start3A_325 = tpu.memref_slice %arg4[%add3A_318, %dma_start3A_324] : memref<50176x128xf32, #tpu.memory_space<hbm>> -> memref<112x128xf32, #tpu.memory_space<hbm>>
    %dma_start3A_326 = arith.constant 0 : i32
    %dma_start3A_327 = tpu.memref_slice %arg4[%add3A_318, %dma_start3A_326] : memref<50176x128xf32, #tpu.memory_space<hbm>> -> memref<112x128xf32, #tpu.memory_space<hbm>>
    %dma_start3A_328 = arith.constant 0 : i32
    %dma_start3A_329 = arith.constant 0 : i32
    %dma_start3A_330 = tpu.memref_slice %arg6[%dma_start3A_319, %dma_start3A_328, %dma_start3A_329] : memref<8x112x128xf32, #tpu.memory_space<vmem>> -> memref<1x112x128xf32, #tpu.memory_space<vmem>>
    %dma_start3A_331 = tpu.memref_squeeze %dma_start3A_330 : memref<1x112x128xf32, #tpu.memory_space<vmem>> -> memref<112x128xf32, #tpu.memory_space<vmem>>
    tpu.enqueue_dma source(%dma_start3A_331 : memref<112x128xf32, #tpu.memory_space<vmem>>) target(%dma_start3A_327 : memref<112x128xf32, #tpu.memory_space<hbm>>) target_semaphore(%arg8 : memref<!tpu.dma_semaphore, #tpu.memory_space<semaphore_mem>>)
    %dma_wait3A_332 = arith.constant 4 : i32
    %dma_wait3A_333 = arith.constant 0 : i32
    %dma_wait3A_334 = arith.constant 0 : i32
    %dma_wait3A_335 = tpu.memref_slice %arg6[%dma_wait3A_332, %dma_wait3A_333, %dma_wait3A_334] : memref<8x112x128xf32, #tpu.memory_space<vmem>> -> memref<1x112x128xf32, #tpu.memory_space<vmem>>
    %dma_wait3A_336 = tpu.memref_squeeze %dma_wait3A_335 : memref<1x112x128xf32, #tpu.memory_space<vmem>> -> memref<112x128xf32, #tpu.memory_space<vmem>>
    %dma_wait3A_337 = arith.constant 0 : i32
    %dma_wait3A_338 = tpu.memref_slice %arg4[%add3A_318, %dma_wait3A_337] : memref<50176x128xf32, #tpu.memory_space<hbm>> -> memref<112x128xf32, #tpu.memory_space<hbm>>
    %dma_wait3A_339 = arith.constant 0 : i32
    %dma_wait3A_340 = tpu.memref_slice %arg4[%add3A_318, %dma_wait3A_339] : memref<50176x128xf32, #tpu.memory_space<hbm>> -> memref<112x128xf32, #tpu.memory_space<hbm>>
    %dma_wait3A_341 = arith.constant 0 : i32
    %dma_wait3A_342 = arith.constant 0 : i32
    %dma_wait3A_343 = tpu.memref_slice %arg6[%dma_wait3A_332, %dma_wait3A_341, %dma_wait3A_342] : memref<8x112x128xf32, #tpu.memory_space<vmem>> -> memref<1x112x128xf32, #tpu.memory_space<vmem>>
    %dma_wait3A_344 = tpu.memref_squeeze %dma_wait3A_343 : memref<1x112x128xf32, #tpu.memory_space<vmem>> -> memref<112x128xf32, #tpu.memory_space<vmem>>
    tpu.wait_dma2 semaphore(%arg8 : memref<!tpu.dma_semaphore, #tpu.memory_space<semaphore_mem>>) src(%dma_wait3A_344 : memref<112x128xf32, #tpu.memory_space<vmem>>) dst(%dma_wait3A_340 : memref<112x128xf32, #tpu.memory_space<hbm>>)
    %dma_start3A_345 = arith.constant 12 : i32
    %dma_start3A_346 = arith.constant 4 : i32
    %dma_start3A_347 = arith.constant 0 : i32
    %dma_start3A_348 = arith.constant 0 : i32
    %dma_start3A_349 = tpu.memref_slice %arg6[%dma_start3A_346, %dma_start3A_347, %dma_start3A_348] : memref<8x112x128xf32, #tpu.memory_space<vmem>> -> memref<1x112x128xf32, #tpu.memory_space<vmem>>
    %dma_start3A_350 = tpu.memref_squeeze %dma_start3A_349 : memref<1x112x128xf32, #tpu.memory_space<vmem>> -> memref<112x128xf32, #tpu.memory_space<vmem>>
    %dma_start3A_351 = arith.constant 0 : i32
    %dma_start3A_352 = tpu.memref_slice %arg5[%dma_start3A_345, %dma_start3A_351] : memref<14x112xi32, #tpu.memory_space<vmem>> -> memref<1x112xi32, #tpu.memory_space<vmem>>
    %dma_start3A_353 = tpu.memref_squeeze %dma_start3A_352 : memref<1x112xi32, #tpu.memory_space<vmem>> -> memref<112xi32, #tpu.memory_space<vmem>>
    %dma_start3A_354 = arith.constant 0 : i32
    %dma_start3A_355 = arith.constant 0 : i32
    %dma_start3A_356 = tpu.memref_slice %arg2[%dma_start3A_354, %dma_start3A_355] : memref<12544x128xf32, #tpu.memory_space<hbm>> -> memref<12544x128xf32, #tpu.memory_space<hbm>>
    tpu.enqueue_indirect_dma source(%dma_start3A_356 : memref<12544x128xf32, #tpu.memory_space<hbm>>) target(%dma_start3A_350 : memref<112x128xf32, #tpu.memory_space<vmem>>) offsets(%dma_start3A_353 : memref<112xi32, #tpu.memory_space<vmem>>) semaphore(%arg7 : memref<!tpu.dma_semaphore, #tpu.memory_space<semaphore_mem>>)
    %dma_wait3A_357 = arith.constant 5 : i32
    %dma_wait3A_358 = arith.constant 5 : i32
    %dma_wait3A_359 = arith.constant 0 : i32
    %dma_wait3A_360 = arith.constant 0 : i32
    %dma_wait3A_361 = tpu.memref_slice %arg6[%dma_wait3A_358, %dma_wait3A_359, %dma_wait3A_360] : memref<8x112x128xf32, #tpu.memory_space<vmem>> -> memref<1x112x128xf32, #tpu.memory_space<vmem>>
    %dma_wait3A_362 = tpu.memref_squeeze %dma_wait3A_361 : memref<1x112x128xf32, #tpu.memory_space<vmem>> -> memref<112x128xf32, #tpu.memory_space<vmem>>
    %dma_wait3A_363 = arith.constant 0 : i32
    %dma_wait3A_364 = tpu.memref_slice %arg5[%dma_wait3A_357, %dma_wait3A_363] : memref<14x112xi32, #tpu.memory_space<vmem>> -> memref<1x112xi32, #tpu.memory_space<vmem>>
    %dma_wait3A_365 = tpu.memref_squeeze %dma_wait3A_364 : memref<1x112xi32, #tpu.memory_space<vmem>> -> memref<112xi32, #tpu.memory_space<vmem>>
    %dma_wait3A_366 = arith.constant 0 : i32
    %dma_wait3A_367 = arith.constant 0 : i32
    %dma_wait3A_368 = tpu.memref_slice %arg2[%dma_wait3A_366, %dma_wait3A_367] : memref<12544x128xf32, #tpu.memory_space<hbm>> -> memref<12544x128xf32, #tpu.memory_space<hbm>>
    tpu.wait_indirect_dma semaphore(%arg7 : memref<!tpu.dma_semaphore, #tpu.memory_space<semaphore_mem>>) src(%dma_wait3A_368 : memref<12544x128xf32, #tpu.memory_space<hbm>>) dst(%dma_wait3A_362 : memref<112x128xf32, #tpu.memory_space<vmem>>)
    %add3A_369 = arith.constant 560 : i32
    %add3A_370 = arith.addi %mul3A_2, %add3A_369 : i32
    %dma_start3A_371 = arith.constant 5 : i32
    %dma_start3A_372 = arith.constant 0 : i32
    %dma_start3A_373 = arith.constant 0 : i32
    %dma_start3A_374 = tpu.memref_slice %arg6[%dma_start3A_371, %dma_start3A_372, %dma_start3A_373] : memref<8x112x128xf32, #tpu.memory_space<vmem>> -> memref<1x112x128xf32, #tpu.memory_space<vmem>>
    %dma_start3A_375 = tpu.memref_squeeze %dma_start3A_374 : memref<1x112x128xf32, #tpu.memory_space<vmem>> -> memref<112x128xf32, #tpu.memory_space<vmem>>
    %dma_start3A_376 = arith.constant 0 : i32
    %dma_start3A_377 = tpu.memref_slice %arg4[%add3A_370, %dma_start3A_376] : memref<50176x128xf32, #tpu.memory_space<hbm>> -> memref<112x128xf32, #tpu.memory_space<hbm>>
    %dma_start3A_378 = arith.constant 0 : i32
    %dma_start3A_379 = tpu.memref_slice %arg4[%add3A_370, %dma_start3A_378] : memref<50176x128xf32, #tpu.memory_space<hbm>> -> memref<112x128xf32, #tpu.memory_space<hbm>>
    %dma_start3A_380 = arith.constant 0 : i32
    %dma_start3A_381 = arith.constant 0 : i32
    %dma_start3A_382 = tpu.memref_slice %arg6[%dma_start3A_371, %dma_start3A_380, %dma_start3A_381] : memref<8x112x128xf32, #tpu.memory_space<vmem>> -> memref<1x112x128xf32, #tpu.memory_space<vmem>>
    %dma_start3A_383 = tpu.memref_squeeze %dma_start3A_382 : memref<1x112x128xf32, #tpu.memory_space<vmem>> -> memref<112x128xf32, #tpu.memory_space<vmem>>
    tpu.enqueue_dma source(%dma_start3A_383 : memref<112x128xf32, #tpu.memory_space<vmem>>) target(%dma_start3A_379 : memref<112x128xf32, #tpu.memory_space<hbm>>) target_semaphore(%arg8 : memref<!tpu.dma_semaphore, #tpu.memory_space<semaphore_mem>>)
    %dma_wait3A_384 = arith.constant 5 : i32
    %dma_wait3A_385 = arith.constant 0 : i32
    %dma_wait3A_386 = arith.constant 0 : i32
    %dma_wait3A_387 = tpu.memref_slice %arg6[%dma_wait3A_384, %dma_wait3A_385, %dma_wait3A_386] : memref<8x112x128xf32, #tpu.memory_space<vmem>> -> memref<1x112x128xf32, #tpu.memory_space<vmem>>
    %dma_wait3A_388 = tpu.memref_squeeze %dma_wait3A_387 : memref<1x112x128xf32, #tpu.memory_space<vmem>> -> memref<112x128xf32, #tpu.memory_space<vmem>>
    %dma_wait3A_389 = arith.constant 0 : i32
    %dma_wait3A_390 = tpu.memref_slice %arg4[%add3A_370, %dma_wait3A_389] : memref<50176x128xf32, #tpu.memory_space<hbm>> -> memref<112x128xf32, #tpu.memory_space<hbm>>
    %dma_wait3A_391 = arith.constant 0 : i32
    %dma_wait3A_392 = tpu.memref_slice %arg4[%add3A_370, %dma_wait3A_391] : memref<50176x128xf32, #tpu.memory_space<hbm>> -> memref<112x128xf32, #tpu.memory_space<hbm>>
    %dma_wait3A_393 = arith.constant 0 : i32
    %dma_wait3A_394 = arith.constant 0 : i32
    %dma_wait3A_395 = tpu.memref_slice %arg6[%dma_wait3A_384, %dma_wait3A_393, %dma_wait3A_394] : memref<8x112x128xf32, #tpu.memory_space<vmem>> -> memref<1x112x128xf32, #tpu.memory_space<vmem>>
    %dma_wait3A_396 = tpu.memref_squeeze %dma_wait3A_395 : memref<1x112x128xf32, #tpu.memory_space<vmem>> -> memref<112x128xf32, #tpu.memory_space<vmem>>
    tpu.wait_dma2 semaphore(%arg8 : memref<!tpu.dma_semaphore, #tpu.memory_space<semaphore_mem>>) src(%dma_wait3A_396 : memref<112x128xf32, #tpu.memory_space<vmem>>) dst(%dma_wait3A_392 : memref<112x128xf32, #tpu.memory_space<hbm>>)
    %dma_start3A_397 = arith.constant 13 : i32
    %dma_start3A_398 = arith.constant 5 : i32
    %dma_start3A_399 = arith.constant 0 : i32
    %dma_start3A_400 = arith.constant 0 : i32
    %dma_start3A_401 = tpu.memref_slice %arg6[%dma_start3A_398, %dma_start3A_399, %dma_start3A_400] : memref<8x112x128xf32, #tpu.memory_space<vmem>> -> memref<1x112x128xf32, #tpu.memory_space<vmem>>
    %dma_start3A_402 = tpu.memref_squeeze %dma_start3A_401 : memref<1x112x128xf32, #tpu.memory_space<vmem>> -> memref<112x128xf32, #tpu.memory_space<vmem>>
    %dma_start3A_403 = arith.constant 0 : i32
    %dma_start3A_404 = tpu.memref_slice %arg5[%dma_start3A_397, %dma_start3A_403] : memref<14x112xi32, #tpu.memory_space<vmem>> -> memref<1x112xi32, #tpu.memory_space<vmem>>
    %dma_start3A_405 = tpu.memref_squeeze %dma_start3A_404 : memref<1x112xi32, #tpu.memory_space<vmem>> -> memref<112xi32, #tpu.memory_space<vmem>>
    %dma_start3A_406 = arith.constant 0 : i32
    %dma_start3A_407 = arith.constant 0 : i32
    %dma_start3A_408 = tpu.memref_slice %arg2[%dma_start3A_406, %dma_start3A_407] : memref<12544x128xf32, #tpu.memory_space<hbm>> -> memref<12544x128xf32, #tpu.memory_space<hbm>>
    tpu.enqueue_indirect_dma source(%dma_start3A_408 : memref<12544x128xf32, #tpu.memory_space<hbm>>) target(%dma_start3A_402 : memref<112x128xf32, #tpu.memory_space<vmem>>) offsets(%dma_start3A_405 : memref<112xi32, #tpu.memory_space<vmem>>) semaphore(%arg7 : memref<!tpu.dma_semaphore, #tpu.memory_space<semaphore_mem>>)
    %dma_wait3A_409 = arith.constant 6 : i32
    %dma_wait3A_410 = arith.constant 6 : i32
    %dma_wait3A_411 = arith.constant 0 : i32
    %dma_wait3A_412 = arith.constant 0 : i32
    %dma_wait3A_413 = tpu.memref_slice %arg6[%dma_wait3A_410, %dma_wait3A_411, %dma_wait3A_412] : memref<8x112x128xf32, #tpu.memory_space<vmem>> -> memref<1x112x128xf32, #tpu.memory_space<vmem>>
    %dma_wait3A_414 = tpu.memref_squeeze %dma_wait3A_413 : memref<1x112x128xf32, #tpu.memory_space<vmem>> -> memref<112x128xf32, #tpu.memory_space<vmem>>
    %dma_wait3A_415 = arith.constant 0 : i32
    %dma_wait3A_416 = tpu.memref_slice %arg5[%dma_wait3A_409, %dma_wait3A_415] : memref<14x112xi32, #tpu.memory_space<vmem>> -> memref<1x112xi32, #tpu.memory_space<vmem>>
    %dma_wait3A_417 = tpu.memref_squeeze %dma_wait3A_416 : memref<1x112xi32, #tpu.memory_space<vmem>> -> memref<112xi32, #tpu.memory_space<vmem>>
    %dma_wait3A_418 = arith.constant 0 : i32
    %dma_wait3A_419 = arith.constant 0 : i32
    %dma_wait3A_420 = tpu.memref_slice %arg2[%dma_wait3A_418, %dma_wait3A_419] : memref<12544x128xf32, #tpu.memory_space<hbm>> -> memref<12544x128xf32, #tpu.memory_space<hbm>>
    tpu.wait_indirect_dma semaphore(%arg7 : memref<!tpu.dma_semaphore, #tpu.memory_space<semaphore_mem>>) src(%dma_wait3A_420 : memref<12544x128xf32, #tpu.memory_space<hbm>>) dst(%dma_wait3A_414 : memref<112x128xf32, #tpu.memory_space<vmem>>)
    %add3A_421 = arith.constant 672 : i32
    %add3A_422 = arith.addi %mul3A_2, %add3A_421 : i32
    %dma_start3A_423 = arith.constant 6 : i32
    %dma_start3A_424 = arith.constant 0 : i32
    %dma_start3A_425 = arith.constant 0 : i32
    %dma_start3A_426 = tpu.memref_slice %arg6[%dma_start3A_423, %dma_start3A_424, %dma_start3A_425] : memref<8x112x128xf32, #tpu.memory_space<vmem>> -> memref<1x112x128xf32, #tpu.memory_space<vmem>>
    %dma_start3A_427 = tpu.memref_squeeze %dma_start3A_426 : memref<1x112x128xf32, #tpu.memory_space<vmem>> -> memref<112x128xf32, #tpu.memory_space<vmem>>
    %dma_start3A_428 = arith.constant 0 : i32
    %dma_start3A_429 = tpu.memref_slice %arg4[%add3A_422, %dma_start3A_428] : memref<50176x128xf32, #tpu.memory_space<hbm>> -> memref<112x128xf32, #tpu.memory_space<hbm>>
    %dma_start3A_430 = arith.constant 0 : i32
    %dma_start3A_431 = tpu.memref_slice %arg4[%add3A_422, %dma_start3A_430] : memref<50176x128xf32, #tpu.memory_space<hbm>> -> memref<112x128xf32, #tpu.memory_space<hbm>>
    %dma_start3A_432 = arith.constant 0 : i32
    %dma_start3A_433 = arith.constant 0 : i32
    %dma_start3A_434 = tpu.memref_slice %arg6[%dma_start3A_423, %dma_start3A_432, %dma_start3A_433] : memref<8x112x128xf32, #tpu.memory_space<vmem>> -> memref<1x112x128xf32, #tpu.memory_space<vmem>>
    %dma_start3A_435 = tpu.memref_squeeze %dma_start3A_434 : memref<1x112x128xf32, #tpu.memory_space<vmem>> -> memref<112x128xf32, #tpu.memory_space<vmem>>
    tpu.enqueue_dma source(%dma_start3A_435 : memref<112x128xf32, #tpu.memory_space<vmem>>) target(%dma_start3A_431 : memref<112x128xf32, #tpu.memory_space<hbm>>) target_semaphore(%arg8 : memref<!tpu.dma_semaphore, #tpu.memory_space<semaphore_mem>>)
    %dma_wait3A_436 = arith.constant 7 : i32
    %dma_wait3A_437 = arith.constant 7 : i32
    %dma_wait3A_438 = arith.constant 0 : i32
    %dma_wait3A_439 = arith.constant 0 : i32
    %dma_wait3A_440 = tpu.memref_slice %arg6[%dma_wait3A_437, %dma_wait3A_438, %dma_wait3A_439] : memref<8x112x128xf32, #tpu.memory_space<vmem>> -> memref<1x112x128xf32, #tpu.memory_space<vmem>>
    %dma_wait3A_441 = tpu.memref_squeeze %dma_wait3A_440 : memref<1x112x128xf32, #tpu.memory_space<vmem>> -> memref<112x128xf32, #tpu.memory_space<vmem>>
    %dma_wait3A_442 = arith.constant 0 : i32
    %dma_wait3A_443 = tpu.memref_slice %arg5[%dma_wait3A_436, %dma_wait3A_442] : memref<14x112xi32, #tpu.memory_space<vmem>> -> memref<1x112xi32, #tpu.memory_space<vmem>>
    %dma_wait3A_444 = tpu.memref_squeeze %dma_wait3A_443 : memref<1x112xi32, #tpu.memory_space<vmem>> -> memref<112xi32, #tpu.memory_space<vmem>>
    %dma_wait3A_445 = arith.constant 0 : i32
    %dma_wait3A_446 = arith.constant 0 : i32
    %dma_wait3A_447 = tpu.memref_slice %arg2[%dma_wait3A_445, %dma_wait3A_446] : memref<12544x128xf32, #tpu.memory_space<hbm>> -> memref<12544x128xf32, #tpu.memory_space<hbm>>
    tpu.wait_indirect_dma semaphore(%arg7 : memref<!tpu.dma_semaphore, #tpu.memory_space<semaphore_mem>>) src(%dma_wait3A_447 : memref<12544x128xf32, #tpu.memory_space<hbm>>) dst(%dma_wait3A_441 : memref<112x128xf32, #tpu.memory_space<vmem>>)
    %add3A_448 = arith.constant 784 : i32
    %add3A_449 = arith.addi %mul3A_2, %add3A_448 : i32
    %dma_start3A_450 = arith.constant 7 : i32
    %dma_start3A_451 = arith.constant 0 : i32
    %dma_start3A_452 = arith.constant 0 : i32
    %dma_start3A_453 = tpu.memref_slice %arg6[%dma_start3A_450, %dma_start3A_451, %dma_start3A_452] : memref<8x112x128xf32, #tpu.memory_space<vmem>> -> memref<1x112x128xf32, #tpu.memory_space<vmem>>
    %dma_start3A_454 = tpu.memref_squeeze %dma_start3A_453 : memref<1x112x128xf32, #tpu.memory_space<vmem>> -> memref<112x128xf32, #tpu.memory_space<vmem>>
    %dma_start3A_455 = arith.constant 0 : i32
    %dma_start3A_456 = tpu.memref_slice %arg4[%add3A_449, %dma_start3A_455] : memref<50176x128xf32, #tpu.memory_space<hbm>> -> memref<112x128xf32, #tpu.memory_space<hbm>>
    %dma_start3A_457 = arith.constant 0 : i32
    %dma_start3A_458 = tpu.memref_slice %arg4[%add3A_449, %dma_start3A_457] : memref<50176x128xf32, #tpu.memory_space<hbm>> -> memref<112x128xf32, #tpu.memory_space<hbm>>
    %dma_start3A_459 = arith.constant 0 : i32
    %dma_start3A_460 = arith.constant 0 : i32
    %dma_start3A_461 = tpu.memref_slice %arg6[%dma_start3A_450, %dma_start3A_459, %dma_start3A_460] : memref<8x112x128xf32, #tpu.memory_space<vmem>> -> memref<1x112x128xf32, #tpu.memory_space<vmem>>
    %dma_start3A_462 = tpu.memref_squeeze %dma_start3A_461 : memref<1x112x128xf32, #tpu.memory_space<vmem>> -> memref<112x128xf32, #tpu.memory_space<vmem>>
    tpu.enqueue_dma source(%dma_start3A_462 : memref<112x128xf32, #tpu.memory_space<vmem>>) target(%dma_start3A_458 : memref<112x128xf32, #tpu.memory_space<hbm>>) target_semaphore(%arg8 : memref<!tpu.dma_semaphore, #tpu.memory_space<semaphore_mem>>)
    %dma_wait3A_463 = arith.constant 8 : i32
    %dma_wait3A_464 = arith.constant 0 : i32
    %dma_wait3A_465 = arith.constant 0 : i32
    %dma_wait3A_466 = arith.constant 0 : i32
    %dma_wait3A_467 = tpu.memref_slice %arg6[%dma_wait3A_464, %dma_wait3A_465, %dma_wait3A_466] : memref<8x112x128xf32, #tpu.memory_space<vmem>> -> memref<1x112x128xf32, #tpu.memory_space<vmem>>
    %dma_wait3A_468 = tpu.memref_squeeze %dma_wait3A_467 : memref<1x112x128xf32, #tpu.memory_space<vmem>> -> memref<112x128xf32, #tpu.memory_space<vmem>>
    %dma_wait3A_469 = arith.constant 0 : i32
    %dma_wait3A_470 = tpu.memref_slice %arg5[%dma_wait3A_463, %dma_wait3A_469] : memref<14x112xi32, #tpu.memory_space<vmem>> -> memref<1x112xi32, #tpu.memory_space<vmem>>
    %dma_wait3A_471 = tpu.memref_squeeze %dma_wait3A_470 : memref<1x112xi32, #tpu.memory_space<vmem>> -> memref<112xi32, #tpu.memory_space<vmem>>
    %dma_wait3A_472 = arith.constant 0 : i32
    %dma_wait3A_473 = arith.constant 0 : i32
    %dma_wait3A_474 = tpu.memref_slice %arg2[%dma_wait3A_472, %dma_wait3A_473] : memref<12544x128xf32, #tpu.memory_space<hbm>> -> memref<12544x128xf32, #tpu.memory_space<hbm>>
    tpu.wait_indirect_dma semaphore(%arg7 : memref<!tpu.dma_semaphore, #tpu.memory_space<semaphore_mem>>) src(%dma_wait3A_474 : memref<12544x128xf32, #tpu.memory_space<hbm>>) dst(%dma_wait3A_468 : memref<112x128xf32, #tpu.memory_space<vmem>>)
    %add3A_475 = arith.constant 896 : i32
    %add3A_476 = arith.addi %mul3A_2, %add3A_475 : i32
    %dma_start3A_477 = arith.constant 0 : i32
    %dma_start3A_478 = arith.constant 0 : i32
    %dma_start3A_479 = arith.constant 0 : i32
    %dma_start3A_480 = tpu.memref_slice %arg6[%dma_start3A_477, %dma_start3A_478, %dma_start3A_479] : memref<8x112x128xf32, #tpu.memory_space<vmem>> -> memref<1x112x128xf32, #tpu.memory_space<vmem>>
    %dma_start3A_481 = tpu.memref_squeeze %dma_start3A_480 : memref<1x112x128xf32, #tpu.memory_space<vmem>> -> memref<112x128xf32, #tpu.memory_space<vmem>>
    %dma_start3A_482 = arith.constant 0 : i32
    %dma_start3A_483 = tpu.memref_slice %arg4[%add3A_476, %dma_start3A_482] : memref<50176x128xf32, #tpu.memory_space<hbm>> -> memref<112x128xf32, #tpu.memory_space<hbm>>
    %dma_start3A_484 = arith.constant 0 : i32
    %dma_start3A_485 = tpu.memref_slice %arg4[%add3A_476, %dma_start3A_484] : memref<50176x128xf32, #tpu.memory_space<hbm>> -> memref<112x128xf32, #tpu.memory_space<hbm>>
    %dma_start3A_486 = arith.constant 0 : i32
    %dma_start3A_487 = arith.constant 0 : i32
    %dma_start3A_488 = tpu.memref_slice %arg6[%dma_start3A_477, %dma_start3A_486, %dma_start3A_487] : memref<8x112x128xf32, #tpu.memory_space<vmem>> -> memref<1x112x128xf32, #tpu.memory_space<vmem>>
    %dma_start3A_489 = tpu.memref_squeeze %dma_start3A_488 : memref<1x112x128xf32, #tpu.memory_space<vmem>> -> memref<112x128xf32, #tpu.memory_space<vmem>>
    tpu.enqueue_dma source(%dma_start3A_489 : memref<112x128xf32, #tpu.memory_space<vmem>>) target(%dma_start3A_485 : memref<112x128xf32, #tpu.memory_space<hbm>>) target_semaphore(%arg8 : memref<!tpu.dma_semaphore, #tpu.memory_space<semaphore_mem>>)
    %dma_wait3A_490 = arith.constant 9 : i32
    %dma_wait3A_491 = arith.constant 1 : i32
    %dma_wait3A_492 = arith.constant 0 : i32
    %dma_wait3A_493 = arith.constant 0 : i32
    %dma_wait3A_494 = tpu.memref_slice %arg6[%dma_wait3A_491, %dma_wait3A_492, %dma_wait3A_493] : memref<8x112x128xf32, #tpu.memory_space<vmem>> -> memref<1x112x128xf32, #tpu.memory_space<vmem>>
    %dma_wait3A_495 = tpu.memref_squeeze %dma_wait3A_494 : memref<1x112x128xf32, #tpu.memory_space<vmem>> -> memref<112x128xf32, #tpu.memory_space<vmem>>
    %dma_wait3A_496 = arith.constant 0 : i32
    %dma_wait3A_497 = tpu.memref_slice %arg5[%dma_wait3A_490, %dma_wait3A_496] : memref<14x112xi32, #tpu.memory_space<vmem>> -> memref<1x112xi32, #tpu.memory_space<vmem>>
    %dma_wait3A_498 = tpu.memref_squeeze %dma_wait3A_497 : memref<1x112xi32, #tpu.memory_space<vmem>> -> memref<112xi32, #tpu.memory_space<vmem>>
    %dma_wait3A_499 = arith.constant 0 : i32
    %dma_wait3A_500 = arith.constant 0 : i32
    %dma_wait3A_501 = tpu.memref_slice %arg2[%dma_wait3A_499, %dma_wait3A_500] : memref<12544x128xf32, #tpu.memory_space<hbm>> -> memref<12544x128xf32, #tpu.memory_space<hbm>>
    tpu.wait_indirect_dma semaphore(%arg7 : memref<!tpu.dma_semaphore, #tpu.memory_space<semaphore_mem>>) src(%dma_wait3A_501 : memref<12544x128xf32, #tpu.memory_space<hbm>>) dst(%dma_wait3A_495 : memref<112x128xf32, #tpu.memory_space<vmem>>)
    %add3A_502 = arith.constant 1008 : i32
    %add3A_503 = arith.addi %mul3A_2, %add3A_502 : i32
    %dma_start3A_504 = arith.constant 1 : i32
    %dma_start3A_505 = arith.constant 0 : i32
    %dma_start3A_506 = arith.constant 0 : i32
    %dma_start3A_507 = tpu.memref_slice %arg6[%dma_start3A_504, %dma_start3A_505, %dma_start3A_506] : memref<8x112x128xf32, #tpu.memory_space<vmem>> -> memref<1x112x128xf32, #tpu.memory_space<vmem>>
    %dma_start3A_508 = tpu.memref_squeeze %dma_start3A_507 : memref<1x112x128xf32, #tpu.memory_space<vmem>> -> memref<112x128xf32, #tpu.memory_space<vmem>>
    %dma_start3A_509 = arith.constant 0 : i32
    %dma_start3A_510 = tpu.memref_slice %arg4[%add3A_503, %dma_start3A_509] : memref<50176x128xf32, #tpu.memory_space<hbm>> -> memref<112x128xf32, #tpu.memory_space<hbm>>
    %dma_start3A_511 = arith.constant 0 : i32
    %dma_start3A_512 = tpu.memref_slice %arg4[%add3A_503, %dma_start3A_511] : memref<50176x128xf32, #tpu.memory_space<hbm>> -> memref<112x128xf32, #tpu.memory_space<hbm>>
    %dma_start3A_513 = arith.constant 0 : i32
    %dma_start3A_514 = arith.constant 0 : i32
    %dma_start3A_515 = tpu.memref_slice %arg6[%dma_start3A_504, %dma_start3A_513, %dma_start3A_514] : memref<8x112x128xf32, #tpu.memory_space<vmem>> -> memref<1x112x128xf32, #tpu.memory_space<vmem>>
    %dma_start3A_516 = tpu.memref_squeeze %dma_start3A_515 : memref<1x112x128xf32, #tpu.memory_space<vmem>> -> memref<112x128xf32, #tpu.memory_space<vmem>>
    tpu.enqueue_dma source(%dma_start3A_516 : memref<112x128xf32, #tpu.memory_space<vmem>>) target(%dma_start3A_512 : memref<112x128xf32, #tpu.memory_space<hbm>>) target_semaphore(%arg8 : memref<!tpu.dma_semaphore, #tpu.memory_space<semaphore_mem>>)
    %dma_wait3A_517 = arith.constant 10 : i32
    %dma_wait3A_518 = arith.constant 2 : i32
    %dma_wait3A_519 = arith.constant 0 : i32
    %dma_wait3A_520 = arith.constant 0 : i32
    %dma_wait3A_521 = tpu.memref_slice %arg6[%dma_wait3A_518, %dma_wait3A_519, %dma_wait3A_520] : memref<8x112x128xf32, #tpu.memory_space<vmem>> -> memref<1x112x128xf32, #tpu.memory_space<vmem>>
    %dma_wait3A_522 = tpu.memref_squeeze %dma_wait3A_521 : memref<1x112x128xf32, #tpu.memory_space<vmem>> -> memref<112x128xf32, #tpu.memory_space<vmem>>
    %dma_wait3A_523 = arith.constant 0 : i32
    %dma_wait3A_524 = tpu.memref_slice %arg5[%dma_wait3A_517, %dma_wait3A_523] : memref<14x112xi32, #tpu.memory_space<vmem>> -> memref<1x112xi32, #tpu.memory_space<vmem>>
    %dma_wait3A_525 = tpu.memref_squeeze %dma_wait3A_524 : memref<1x112xi32, #tpu.memory_space<vmem>> -> memref<112xi32, #tpu.memory_space<vmem>>
    %dma_wait3A_526 = arith.constant 0 : i32
    %dma_wait3A_527 = arith.constant 0 : i32
    %dma_wait3A_528 = tpu.memref_slice %arg2[%dma_wait3A_526, %dma_wait3A_527] : memref<12544x128xf32, #tpu.memory_space<hbm>> -> memref<12544x128xf32, #tpu.memory_space<hbm>>
    tpu.wait_indirect_dma semaphore(%arg7 : memref<!tpu.dma_semaphore, #tpu.memory_space<semaphore_mem>>) src(%dma_wait3A_528 : memref<12544x128xf32, #tpu.memory_space<hbm>>) dst(%dma_wait3A_522 : memref<112x128xf32, #tpu.memory_space<vmem>>)
    %add3A_529 = arith.constant 1120 : i32
    %add3A_530 = arith.addi %mul3A_2, %add3A_529 : i32
    %dma_start3A_531 = arith.constant 2 : i32
    %dma_start3A_532 = arith.constant 0 : i32
    %dma_start3A_533 = arith.constant 0 : i32
    %dma_start3A_534 = tpu.memref_slice %arg6[%dma_start3A_531, %dma_start3A_532, %dma_start3A_533] : memref<8x112x128xf32, #tpu.memory_space<vmem>> -> memref<1x112x128xf32, #tpu.memory_space<vmem>>
    %dma_start3A_535 = tpu.memref_squeeze %dma_start3A_534 : memref<1x112x128xf32, #tpu.memory_space<vmem>> -> memref<112x128xf32, #tpu.memory_space<vmem>>
    %dma_start3A_536 = arith.constant 0 : i32
    %dma_start3A_537 = tpu.memref_slice %arg4[%add3A_530, %dma_start3A_536] : memref<50176x128xf32, #tpu.memory_space<hbm>> -> memref<112x128xf32, #tpu.memory_space<hbm>>
    %dma_start3A_538 = arith.constant 0 : i32
    %dma_start3A_539 = tpu.memref_slice %arg4[%add3A_530, %dma_start3A_538] : memref<50176x128xf32, #tpu.memory_space<hbm>> -> memref<112x128xf32, #tpu.memory_space<hbm>>
    %dma_start3A_540 = arith.constant 0 : i32
    %dma_start3A_541 = arith.constant 0 : i32
    %dma_start3A_542 = tpu.memref_slice %arg6[%dma_start3A_531, %dma_start3A_540, %dma_start3A_541] : memref<8x112x128xf32, #tpu.memory_space<vmem>> -> memref<1x112x128xf32, #tpu.memory_space<vmem>>
    %dma_start3A_543 = tpu.memref_squeeze %dma_start3A_542 : memref<1x112x128xf32, #tpu.memory_space<vmem>> -> memref<112x128xf32, #tpu.memory_space<vmem>>
    tpu.enqueue_dma source(%dma_start3A_543 : memref<112x128xf32, #tpu.memory_space<vmem>>) target(%dma_start3A_539 : memref<112x128xf32, #tpu.memory_space<hbm>>) target_semaphore(%arg8 : memref<!tpu.dma_semaphore, #tpu.memory_space<semaphore_mem>>)
    %dma_wait3A_544 = arith.constant 11 : i32
    %dma_wait3A_545 = arith.constant 3 : i32
    %dma_wait3A_546 = arith.constant 0 : i32
    %dma_wait3A_547 = arith.constant 0 : i32
    %dma_wait3A_548 = tpu.memref_slice %arg6[%dma_wait3A_545, %dma_wait3A_546, %dma_wait3A_547] : memref<8x112x128xf32, #tpu.memory_space<vmem>> -> memref<1x112x128xf32, #tpu.memory_space<vmem>>
    %dma_wait3A_549 = tpu.memref_squeeze %dma_wait3A_548 : memref<1x112x128xf32, #tpu.memory_space<vmem>> -> memref<112x128xf32, #tpu.memory_space<vmem>>
    %dma_wait3A_550 = arith.constant 0 : i32
    %dma_wait3A_551 = tpu.memref_slice %arg5[%dma_wait3A_544, %dma_wait3A_550] : memref<14x112xi32, #tpu.memory_space<vmem>> -> memref<1x112xi32, #tpu.memory_space<vmem>>
    %dma_wait3A_552 = tpu.memref_squeeze %dma_wait3A_551 : memref<1x112xi32, #tpu.memory_space<vmem>> -> memref<112xi32, #tpu.memory_space<vmem>>
    %dma_wait3A_553 = arith.constant 0 : i32
    %dma_wait3A_554 = arith.constant 0 : i32
    %dma_wait3A_555 = tpu.memref_slice %arg2[%dma_wait3A_553, %dma_wait3A_554] : memref<12544x128xf32, #tpu.memory_space<hbm>> -> memref<12544x128xf32, #tpu.memory_space<hbm>>
    tpu.wait_indirect_dma semaphore(%arg7 : memref<!tpu.dma_semaphore, #tpu.memory_space<semaphore_mem>>) src(%dma_wait3A_555 : memref<12544x128xf32, #tpu.memory_space<hbm>>) dst(%dma_wait3A_549 : memref<112x128xf32, #tpu.memory_space<vmem>>)
    %add3A_556 = arith.constant 1232 : i32
    %add3A_557 = arith.addi %mul3A_2, %add3A_556 : i32
    %dma_start3A_558 = arith.constant 3 : i32
    %dma_start3A_559 = arith.constant 0 : i32
    %dma_start3A_560 = arith.constant 0 : i32
    %dma_start3A_561 = tpu.memref_slice %arg6[%dma_start3A_558, %dma_start3A_559, %dma_start3A_560] : memref<8x112x128xf32, #tpu.memory_space<vmem>> -> memref<1x112x128xf32, #tpu.memory_space<vmem>>
    %dma_start3A_562 = tpu.memref_squeeze %dma_start3A_561 : memref<1x112x128xf32, #tpu.memory_space<vmem>> -> memref<112x128xf32, #tpu.memory_space<vmem>>
    %dma_start3A_563 = arith.constant 0 : i32
    %dma_start3A_564 = tpu.memref_slice %arg4[%add3A_557, %dma_start3A_563] : memref<50176x128xf32, #tpu.memory_space<hbm>> -> memref<112x128xf32, #tpu.memory_space<hbm>>
    %dma_start3A_565 = arith.constant 0 : i32
    %dma_start3A_566 = tpu.memref_slice %arg4[%add3A_557, %dma_start3A_565] : memref<50176x128xf32, #tpu.memory_space<hbm>> -> memref<112x128xf32, #tpu.memory_space<hbm>>
    %dma_start3A_567 = arith.constant 0 : i32
    %dma_start3A_568 = arith.constant 0 : i32
    %dma_start3A_569 = tpu.memref_slice %arg6[%dma_start3A_558, %dma_start3A_567, %dma_start3A_568] : memref<8x112x128xf32, #tpu.memory_space<vmem>> -> memref<1x112x128xf32, #tpu.memory_space<vmem>>
    %dma_start3A_570 = tpu.memref_squeeze %dma_start3A_569 : memref<1x112x128xf32, #tpu.memory_space<vmem>> -> memref<112x128xf32, #tpu.memory_space<vmem>>
    tpu.enqueue_dma source(%dma_start3A_570 : memref<112x128xf32, #tpu.memory_space<vmem>>) target(%dma_start3A_566 : memref<112x128xf32, #tpu.memory_space<hbm>>) target_semaphore(%arg8 : memref<!tpu.dma_semaphore, #tpu.memory_space<semaphore_mem>>)
    %dma_wait3A_571 = arith.constant 12 : i32
    %dma_wait3A_572 = arith.constant 4 : i32
    %dma_wait3A_573 = arith.constant 0 : i32
    %dma_wait3A_574 = arith.constant 0 : i32
    %dma_wait3A_575 = tpu.memref_slice %arg6[%dma_wait3A_572, %dma_wait3A_573, %dma_wait3A_574] : memref<8x112x128xf32, #tpu.memory_space<vmem>> -> memref<1x112x128xf32, #tpu.memory_space<vmem>>
    %dma_wait3A_576 = tpu.memref_squeeze %dma_wait3A_575 : memref<1x112x128xf32, #tpu.memory_space<vmem>> -> memref<112x128xf32, #tpu.memory_space<vmem>>
    %dma_wait3A_577 = arith.constant 0 : i32
    %dma_wait3A_578 = tpu.memref_slice %arg5[%dma_wait3A_571, %dma_wait3A_577] : memref<14x112xi32, #tpu.memory_space<vmem>> -> memref<1x112xi32, #tpu.memory_space<vmem>>
    %dma_wait3A_579 = tpu.memref_squeeze %dma_wait3A_578 : memref<1x112xi32, #tpu.memory_space<vmem>> -> memref<112xi32, #tpu.memory_space<vmem>>
    %dma_wait3A_580 = arith.constant 0 : i32
    %dma_wait3A_581 = arith.constant 0 : i32
    %dma_wait3A_582 = tpu.memref_slice %arg2[%dma_wait3A_580, %dma_wait3A_581] : memref<12544x128xf32, #tpu.memory_space<hbm>> -> memref<12544x128xf32, #tpu.memory_space<hbm>>
    tpu.wait_indirect_dma semaphore(%arg7 : memref<!tpu.dma_semaphore, #tpu.memory_space<semaphore_mem>>) src(%dma_wait3A_582 : memref<12544x128xf32, #tpu.memory_space<hbm>>) dst(%dma_wait3A_576 : memref<112x128xf32, #tpu.memory_space<vmem>>)
    %add3A_583 = arith.constant 1344 : i32
    %add3A_584 = arith.addi %mul3A_2, %add3A_583 : i32
    %dma_start3A_585 = arith.constant 4 : i32
    %dma_start3A_586 = arith.constant 0 : i32
    %dma_start3A_587 = arith.constant 0 : i32
    %dma_start3A_588 = tpu.memref_slice %arg6[%dma_start3A_585, %dma_start3A_586, %dma_start3A_587] : memref<8x112x128xf32, #tpu.memory_space<vmem>> -> memref<1x112x128xf32, #tpu.memory_space<vmem>>
    %dma_start3A_589 = tpu.memref_squeeze %dma_start3A_588 : memref<1x112x128xf32, #tpu.memory_space<vmem>> -> memref<112x128xf32, #tpu.memory_space<vmem>>
    %dma_start3A_590 = arith.constant 0 : i32
    %dma_start3A_591 = tpu.memref_slice %arg4[%add3A_584, %dma_start3A_590] : memref<50176x128xf32, #tpu.memory_space<hbm>> -> memref<112x128xf32, #tpu.memory_space<hbm>>
    %dma_start3A_592 = arith.constant 0 : i32
    %dma_start3A_593 = tpu.memref_slice %arg4[%add3A_584, %dma_start3A_592] : memref<50176x128xf32, #tpu.memory_space<hbm>> -> memref<112x128xf32, #tpu.memory_space<hbm>>
    %dma_start3A_594 = arith.constant 0 : i32
    %dma_start3A_595 = arith.constant 0 : i32
    %dma_start3A_596 = tpu.memref_slice %arg6[%dma_start3A_585, %dma_start3A_594, %dma_start3A_595] : memref<8x112x128xf32, #tpu.memory_space<vmem>> -> memref<1x112x128xf32, #tpu.memory_space<vmem>>
    %dma_start3A_597 = tpu.memref_squeeze %dma_start3A_596 : memref<1x112x128xf32, #tpu.memory_space<vmem>> -> memref<112x128xf32, #tpu.memory_space<vmem>>
    tpu.enqueue_dma source(%dma_start3A_597 : memref<112x128xf32, #tpu.memory_space<vmem>>) target(%dma_start3A_593 : memref<112x128xf32, #tpu.memory_space<hbm>>) target_semaphore(%arg8 : memref<!tpu.dma_semaphore, #tpu.memory_space<semaphore_mem>>)
    %dma_wait3A_598 = arith.constant 13 : i32
    %dma_wait3A_599 = arith.constant 5 : i32
    %dma_wait3A_600 = arith.constant 0 : i32
    %dma_wait3A_601 = arith.constant 0 : i32
    %dma_wait3A_602 = tpu.memref_slice %arg6[%dma_wait3A_599, %dma_wait3A_600, %dma_wait3A_601] : memref<8x112x128xf32, #tpu.memory_space<vmem>> -> memref<1x112x128xf32, #tpu.memory_space<vmem>>
    %dma_wait3A_603 = tpu.memref_squeeze %dma_wait3A_602 : memref<1x112x128xf32, #tpu.memory_space<vmem>> -> memref<112x128xf32, #tpu.memory_space<vmem>>
    %dma_wait3A_604 = arith.constant 0 : i32
    %dma_wait3A_605 = tpu.memref_slice %arg5[%dma_wait3A_598, %dma_wait3A_604] : memref<14x112xi32, #tpu.memory_space<vmem>> -> memref<1x112xi32, #tpu.memory_space<vmem>>
    %dma_wait3A_606 = tpu.memref_squeeze %dma_wait3A_605 : memref<1x112xi32, #tpu.memory_space<vmem>> -> memref<112xi32, #tpu.memory_space<vmem>>
    %dma_wait3A_607 = arith.constant 0 : i32
    %dma_wait3A_608 = arith.constant 0 : i32
    %dma_wait3A_609 = tpu.memref_slice %arg2[%dma_wait3A_607, %dma_wait3A_608] : memref<12544x128xf32, #tpu.memory_space<hbm>> -> memref<12544x128xf32, #tpu.memory_space<hbm>>
    tpu.wait_indirect_dma semaphore(%arg7 : memref<!tpu.dma_semaphore, #tpu.memory_space<semaphore_mem>>) src(%dma_wait3A_609 : memref<12544x128xf32, #tpu.memory_space<hbm>>) dst(%dma_wait3A_603 : memref<112x128xf32, #tpu.memory_space<vmem>>)
    %add3A_610 = arith.constant 1456 : i32
    %add3A_611 = arith.addi %mul3A_2, %add3A_610 : i32
    %dma_start3A_612 = arith.constant 5 : i32
    %dma_start3A_613 = arith.constant 0 : i32
    %dma_start3A_614 = arith.constant 0 : i32
    %dma_start3A_615 = tpu.memref_slice %arg6[%dma_start3A_612, %dma_start3A_613, %dma_start3A_614] : memref<8x112x128xf32, #tpu.memory_space<vmem>> -> memref<1x112x128xf32, #tpu.memory_space<vmem>>
    %dma_start3A_616 = tpu.memref_squeeze %dma_start3A_615 : memref<1x112x128xf32, #tpu.memory_space<vmem>> -> memref<112x128xf32, #tpu.memory_space<vmem>>
    %dma_start3A_617 = arith.constant 0 : i32
    %dma_start3A_618 = tpu.memref_slice %arg4[%add3A_611, %dma_start3A_617] : memref<50176x128xf32, #tpu.memory_space<hbm>> -> memref<112x128xf32, #tpu.memory_space<hbm>>
    %dma_start3A_619 = arith.constant 0 : i32
    %dma_start3A_620 = tpu.memref_slice %arg4[%add3A_611, %dma_start3A_619] : memref<50176x128xf32, #tpu.memory_space<hbm>> -> memref<112x128xf32, #tpu.memory_space<hbm>>
    %dma_start3A_621 = arith.constant 0 : i32
    %dma_start3A_622 = arith.constant 0 : i32
    %dma_start3A_623 = tpu.memref_slice %arg6[%dma_start3A_612, %dma_start3A_621, %dma_start3A_622] : memref<8x112x128xf32, #tpu.memory_space<vmem>> -> memref<1x112x128xf32, #tpu.memory_space<vmem>>
    %dma_start3A_624 = tpu.memref_squeeze %dma_start3A_623 : memref<1x112x128xf32, #tpu.memory_space<vmem>> -> memref<112x128xf32, #tpu.memory_space<vmem>>
    tpu.enqueue_dma source(%dma_start3A_624 : memref<112x128xf32, #tpu.memory_space<vmem>>) target(%dma_start3A_620 : memref<112x128xf32, #tpu.memory_space<hbm>>) target_semaphore(%arg8 : memref<!tpu.dma_semaphore, #tpu.memory_space<semaphore_mem>>)
    %dma_wait3A_625 = arith.constant 6 : i32
    %dma_wait3A_626 = arith.constant 0 : i32
    %dma_wait3A_627 = arith.constant 0 : i32
    %dma_wait3A_628 = tpu.memref_slice %arg6[%dma_wait3A_625, %dma_wait3A_626, %dma_wait3A_627] : memref<8x112x128xf32, #tpu.memory_space<vmem>> -> memref<1x112x128xf32, #tpu.memory_space<vmem>>
    %dma_wait3A_629 = tpu.memref_squeeze %dma_wait3A_628 : memref<1x112x128xf32, #tpu.memory_space<vmem>> -> memref<112x128xf32, #tpu.memory_space<vmem>>
    %dma_wait3A_630 = arith.constant 0 : i32
    %dma_wait3A_631 = tpu.memref_slice %arg4[%add3A_422, %dma_wait3A_630] : memref<50176x128xf32, #tpu.memory_space<hbm>> -> memref<112x128xf32, #tpu.memory_space<hbm>>
    %dma_wait3A_632 = arith.constant 0 : i32
    %dma_wait3A_633 = tpu.memref_slice %arg4[%add3A_422, %dma_wait3A_632] : memref<50176x128xf32, #tpu.memory_space<hbm>> -> memref<112x128xf32, #tpu.memory_space<hbm>>
    %dma_wait3A_634 = arith.constant 0 : i32
    %dma_wait3A_635 = arith.constant 0 : i32
    %dma_wait3A_636 = tpu.memref_slice %arg6[%dma_wait3A_625, %dma_wait3A_634, %dma_wait3A_635] : memref<8x112x128xf32, #tpu.memory_space<vmem>> -> memref<1x112x128xf32, #tpu.memory_space<vmem>>
    %dma_wait3A_637 = tpu.memref_squeeze %dma_wait3A_636 : memref<1x112x128xf32, #tpu.memory_space<vmem>> -> memref<112x128xf32, #tpu.memory_space<vmem>>
    tpu.wait_dma2 semaphore(%arg8 : memref<!tpu.dma_semaphore, #tpu.memory_space<semaphore_mem>>) src(%dma_wait3A_637 : memref<112x128xf32, #tpu.memory_space<vmem>>) dst(%dma_wait3A_633 : memref<112x128xf32, #tpu.memory_space<hbm>>)
    %dma_wait3A_638 = arith.constant 7 : i32
    %dma_wait3A_639 = arith.constant 0 : i32
    %dma_wait3A_640 = arith.constant 0 : i32
    %dma_wait3A_641 = tpu.memref_slice %arg6[%dma_wait3A_638, %dma_wait3A_639, %dma_wait3A_640] : memref<8x112x128xf32, #tpu.memory_space<vmem>> -> memref<1x112x128xf32, #tpu.memory_space<vmem>>
    %dma_wait3A_642 = tpu.memref_squeeze %dma_wait3A_641 : memref<1x112x128xf32, #tpu.memory_space<vmem>> -> memref<112x128xf32, #tpu.memory_space<vmem>>
    %dma_wait3A_643 = arith.constant 0 : i32
    %dma_wait3A_644 = tpu.memref_slice %arg4[%add3A_449, %dma_wait3A_643] : memref<50176x128xf32, #tpu.memory_space<hbm>> -> memref<112x128xf32, #tpu.memory_space<hbm>>
    %dma_wait3A_645 = arith.constant 0 : i32
    %dma_wait3A_646 = tpu.memref_slice %arg4[%add3A_449, %dma_wait3A_645] : memref<50176x128xf32, #tpu.memory_space<hbm>> -> memref<112x128xf32, #tpu.memory_space<hbm>>
    %dma_wait3A_647 = arith.constant 0 : i32
    %dma_wait3A_648 = arith.constant 0 : i32
    %dma_wait3A_649 = tpu.memref_slice %arg6[%dma_wait3A_638, %dma_wait3A_647, %dma_wait3A_648] : memref<8x112x128xf32, #tpu.memory_space<vmem>> -> memref<1x112x128xf32, #tpu.memory_space<vmem>>
    %dma_wait3A_650 = tpu.memref_squeeze %dma_wait3A_649 : memref<1x112x128xf32, #tpu.memory_space<vmem>> -> memref<112x128xf32, #tpu.memory_space<vmem>>
    tpu.wait_dma2 semaphore(%arg8 : memref<!tpu.dma_semaphore, #tpu.memory_space<semaphore_mem>>) src(%dma_wait3A_650 : memref<112x128xf32, #tpu.memory_space<vmem>>) dst(%dma_wait3A_646 : memref<112x128xf32, #tpu.memory_space<hbm>>)
    %dma_wait3A_651 = arith.constant 0 : i32
    %dma_wait3A_652 = arith.constant 0 : i32
    %dma_wait3A_653 = arith.constant 0 : i32
    %dma_wait3A_654 = tpu.memref_slice %arg6[%dma_wait3A_651, %dma_wait3A_652, %dma_wait3A_653] : memref<8x112x128xf32, #tpu.memory_space<vmem>> -> memref<1x112x128xf32, #tpu.memory_space<vmem>>
    %dma_wait3A_655 = tpu.memref_squeeze %dma_wait3A_654 : memref<1x112x128xf32, #tpu.memory_space<vmem>> -> memref<112x128xf32, #tpu.memory_space<vmem>>
    %dma_wait3A_656 = arith.constant 0 : i32
    %dma_wait3A_657 = tpu.memref_slice %arg4[%add3A_476, %dma_wait3A_656] : memref<50176x128xf32, #tpu.memory_space<hbm>> -> memref<112x128xf32, #tpu.memory_space<hbm>>
    %dma_wait3A_658 = arith.constant 0 : i32
    %dma_wait3A_659 = tpu.memref_slice %arg4[%add3A_476, %dma_wait3A_658] : memref<50176x128xf32, #tpu.memory_space<hbm>> -> memref<112x128xf32, #tpu.memory_space<hbm>>
    %dma_wait3A_660 = arith.constant 0 : i32
    %dma_wait3A_661 = arith.constant 0 : i32
    %dma_wait3A_662 = tpu.memref_slice %arg6[%dma_wait3A_651, %dma_wait3A_660, %dma_wait3A_661] : memref<8x112x128xf32, #tpu.memory_space<vmem>> -> memref<1x112x128xf32, #tpu.memory_space<vmem>>
    %dma_wait3A_663 = tpu.memref_squeeze %dma_wait3A_662 : memref<1x112x128xf32, #tpu.memory_space<vmem>> -> memref<112x128xf32, #tpu.memory_space<vmem>>
    tpu.wait_dma2 semaphore(%arg8 : memref<!tpu.dma_semaphore, #tpu.memory_space<semaphore_mem>>) src(%dma_wait3A_663 : memref<112x128xf32, #tpu.memory_space<vmem>>) dst(%dma_wait3A_659 : memref<112x128xf32, #tpu.memory_space<hbm>>)
    %dma_wait3A_664 = arith.constant 1 : i32
    %dma_wait3A_665 = arith.constant 0 : i32
    %dma_wait3A_666 = arith.constant 0 : i32
    %dma_wait3A_667 = tpu.memref_slice %arg6[%dma_wait3A_664, %dma_wait3A_665, %dma_wait3A_666] : memref<8x112x128xf32, #tpu.memory_space<vmem>> -> memref<1x112x128xf32, #tpu.memory_space<vmem>>
    %dma_wait3A_668 = tpu.memref_squeeze %dma_wait3A_667 : memref<1x112x128xf32, #tpu.memory_space<vmem>> -> memref<112x128xf32, #tpu.memory_space<vmem>>
    %dma_wait3A_669 = arith.constant 0 : i32
    %dma_wait3A_670 = tpu.memref_slice %arg4[%add3A_503, %dma_wait3A_669] : memref<50176x128xf32, #tpu.memory_space<hbm>> -> memref<112x128xf32, #tpu.memory_space<hbm>>
    %dma_wait3A_671 = arith.constant 0 : i32
    %dma_wait3A_672 = tpu.memref_slice %arg4[%add3A_503, %dma_wait3A_671] : memref<50176x128xf32, #tpu.memory_space<hbm>> -> memref<112x128xf32, #tpu.memory_space<hbm>>
    %dma_wait3A_673 = arith.constant 0 : i32
    %dma_wait3A_674 = arith.constant 0 : i32
    %dma_wait3A_675 = tpu.memref_slice %arg6[%dma_wait3A_664, %dma_wait3A_673, %dma_wait3A_674] : memref<8x112x128xf32, #tpu.memory_space<vmem>> -> memref<1x112x128xf32, #tpu.memory_space<vmem>>
    %dma_wait3A_676 = tpu.memref_squeeze %dma_wait3A_675 : memref<1x112x128xf32, #tpu.memory_space<vmem>> -> memref<112x128xf32, #tpu.memory_space<vmem>>
    tpu.wait_dma2 semaphore(%arg8 : memref<!tpu.dma_semaphore, #tpu.memory_space<semaphore_mem>>) src(%dma_wait3A_676 : memref<112x128xf32, #tpu.memory_space<vmem>>) dst(%dma_wait3A_672 : memref<112x128xf32, #tpu.memory_space<hbm>>)
    %dma_wait3A_677 = arith.constant 2 : i32
    %dma_wait3A_678 = arith.constant 0 : i32
    %dma_wait3A_679 = arith.constant 0 : i32
    %dma_wait3A_680 = tpu.memref_slice %arg6[%dma_wait3A_677, %dma_wait3A_678, %dma_wait3A_679] : memref<8x112x128xf32, #tpu.memory_space<vmem>> -> memref<1x112x128xf32, #tpu.memory_space<vmem>>
    %dma_wait3A_681 = tpu.memref_squeeze %dma_wait3A_680 : memref<1x112x128xf32, #tpu.memory_space<vmem>> -> memref<112x128xf32, #tpu.memory_space<vmem>>
    %dma_wait3A_682 = arith.constant 0 : i32
    %dma_wait3A_683 = tpu.memref_slice %arg4[%add3A_530, %dma_wait3A_682] : memref<50176x128xf32, #tpu.memory_space<hbm>> -> memref<112x128xf32, #tpu.memory_space<hbm>>
    %dma_wait3A_684 = arith.constant 0 : i32
    %dma_wait3A_685 = tpu.memref_slice %arg4[%add3A_530, %dma_wait3A_684] : memref<50176x128xf32, #tpu.memory_space<hbm>> -> memref<112x128xf32, #tpu.memory_space<hbm>>
    %dma_wait3A_686 = arith.constant 0 : i32
    %dma_wait3A_687 = arith.constant 0 : i32
    %dma_wait3A_688 = tpu.memref_slice %arg6[%dma_wait3A_677, %dma_wait3A_686, %dma_wait3A_687] : memref<8x112x128xf32, #tpu.memory_space<vmem>> -> memref<1x112x128xf32, #tpu.memory_space<vmem>>
    %dma_wait3A_689 = tpu.memref_squeeze %dma_wait3A_688 : memref<1x112x128xf32, #tpu.memory_space<vmem>> -> memref<112x128xf32, #tpu.memory_space<vmem>>
    tpu.wait_dma2 semaphore(%arg8 : memref<!tpu.dma_semaphore, #tpu.memory_space<semaphore_mem>>) src(%dma_wait3A_689 : memref<112x128xf32, #tpu.memory_space<vmem>>) dst(%dma_wait3A_685 : memref<112x128xf32, #tpu.memory_space<hbm>>)
    %dma_wait3A_690 = arith.constant 3 : i32
    %dma_wait3A_691 = arith.constant 0 : i32
    %dma_wait3A_692 = arith.constant 0 : i32
    %dma_wait3A_693 = tpu.memref_slice %arg6[%dma_wait3A_690, %dma_wait3A_691, %dma_wait3A_692] : memref<8x112x128xf32, #tpu.memory_space<vmem>> -> memref<1x112x128xf32, #tpu.memory_space<vmem>>
    %dma_wait3A_694 = tpu.memref_squeeze %dma_wait3A_693 : memref<1x112x128xf32, #tpu.memory_space<vmem>> -> memref<112x128xf32, #tpu.memory_space<vmem>>
    %dma_wait3A_695 = arith.constant 0 : i32
    %dma_wait3A_696 = tpu.memref_slice %arg4[%add3A_557, %dma_wait3A_695] : memref<50176x128xf32, #tpu.memory_space<hbm>> -> memref<112x128xf32, #tpu.memory_space<hbm>>
    %dma_wait3A_697 = arith.constant 0 : i32
    %dma_wait3A_698 = tpu.memref_slice %arg4[%add3A_557, %dma_wait3A_697] : memref<50176x128xf32, #tpu.memory_space<hbm>> -> memref<112x128xf32, #tpu.memory_space<hbm>>
    %dma_wait3A_699 = arith.constant 0 : i32
    %dma_wait3A_700 = arith.constant 0 : i32
    %dma_wait3A_701 = tpu.memref_slice %arg6[%dma_wait3A_690, %dma_wait3A_699, %dma_wait3A_700] : memref<8x112x128xf32, #tpu.memory_space<vmem>> -> memref<1x112x128xf32, #tpu.memory_space<vmem>>
    %dma_wait3A_702 = tpu.memref_squeeze %dma_wait3A_701 : memref<1x112x128xf32, #tpu.memory_space<vmem>> -> memref<112x128xf32, #tpu.memory_space<vmem>>
    tpu.wait_dma2 semaphore(%arg8 : memref<!tpu.dma_semaphore, #tpu.memory_space<semaphore_mem>>) src(%dma_wait3A_702 : memref<112x128xf32, #tpu.memory_space<vmem>>) dst(%dma_wait3A_698 : memref<112x128xf32, #tpu.memory_space<hbm>>)
    %dma_wait3A_703 = arith.constant 4 : i32
    %dma_wait3A_704 = arith.constant 0 : i32
    %dma_wait3A_705 = arith.constant 0 : i32
    %dma_wait3A_706 = tpu.memref_slice %arg6[%dma_wait3A_703, %dma_wait3A_704, %dma_wait3A_705] : memref<8x112x128xf32, #tpu.memory_space<vmem>> -> memref<1x112x128xf32, #tpu.memory_space<vmem>>
    %dma_wait3A_707 = tpu.memref_squeeze %dma_wait3A_706 : memref<1x112x128xf32, #tpu.memory_space<vmem>> -> memref<112x128xf32, #tpu.memory_space<vmem>>
    %dma_wait3A_708 = arith.constant 0 : i32
    %dma_wait3A_709 = tpu.memref_slice %arg4[%add3A_584, %dma_wait3A_708] : memref<50176x128xf32, #tpu.memory_space<hbm>> -> memref<112x128xf32, #tpu.memory_space<hbm>>
    %dma_wait3A_710 = arith.constant 0 : i32
    %dma_wait3A_711 = tpu.memref_slice %arg4[%add3A_584, %dma_wait3A_710] : memref<50176x128xf32, #tpu.memory_space<hbm>> -> memref<112x128xf32, #tpu.memory_space<hbm>>
    %dma_wait3A_712 = arith.constant 0 : i32
    %dma_wait3A_713 = arith.constant 0 : i32
    %dma_wait3A_714 = tpu.memref_slice %arg6[%dma_wait3A_703, %dma_wait3A_712, %dma_wait3A_713] : memref<8x112x128xf32, #tpu.memory_space<vmem>> -> memref<1x112x128xf32, #tpu.memory_space<vmem>>
    %dma_wait3A_715 = tpu.memref_squeeze %dma_wait3A_714 : memref<1x112x128xf32, #tpu.memory_space<vmem>> -> memref<112x128xf32, #tpu.memory_space<vmem>>
    tpu.wait_dma2 semaphore(%arg8 : memref<!tpu.dma_semaphore, #tpu.memory_space<semaphore_mem>>) src(%dma_wait3A_715 : memref<112x128xf32, #tpu.memory_space<vmem>>) dst(%dma_wait3A_711 : memref<112x128xf32, #tpu.memory_space<hbm>>)
    %dma_wait3A_716 = arith.constant 5 : i32
    %dma_wait3A_717 = arith.constant 0 : i32
    %dma_wait3A_718 = arith.constant 0 : i32
    %dma_wait3A_719 = tpu.memref_slice %arg6[%dma_wait3A_716, %dma_wait3A_717, %dma_wait3A_718] : memref<8x112x128xf32, #tpu.memory_space<vmem>> -> memref<1x112x128xf32, #tpu.memory_space<vmem>>
    %dma_wait3A_720 = tpu.memref_squeeze %dma_wait3A_719 : memref<1x112x128xf32, #tpu.memory_space<vmem>> -> memref<112x128xf32, #tpu.memory_space<vmem>>
    %dma_wait3A_721 = arith.constant 0 : i32
    %dma_wait3A_722 = tpu.memref_slice %arg4[%add3A_611, %dma_wait3A_721] : memref<50176x128xf32, #tpu.memory_space<hbm>> -> memref<112x128xf32, #tpu.memory_space<hbm>>
    %dma_wait3A_723 = arith.constant 0 : i32
    %dma_wait3A_724 = tpu.memref_slice %arg4[%add3A_611, %dma_wait3A_723] : memref<50176x128xf32, #tpu.memory_space<hbm>> -> memref<112x128xf32, #tpu.memory_space<hbm>>
    %dma_wait3A_725 = arith.constant 0 : i32
    %dma_wait3A_726 = arith.constant 0 : i32
    %dma_wait3A_727 = tpu.memref_slice %arg6[%dma_wait3A_716, %dma_wait3A_725, %dma_wait3A_726] : memref<8x112x128xf32, #tpu.memory_space<vmem>> -> memref<1x112x128xf32, #tpu.memory_space<vmem>>
    %dma_wait3A_728 = tpu.memref_squeeze %dma_wait3A_727 : memref<1x112x128xf32, #tpu.memory_space<vmem>> -> memref<112x128xf32, #tpu.memory_space<vmem>>
    tpu.wait_dma2 semaphore(%arg8 : memref<!tpu.dma_semaphore, #tpu.memory_space<semaphore_mem>>) src(%dma_wait3A_728 : memref<112x128xf32, #tpu.memory_space<vmem>>) dst(%dma_wait3A_724 : memref<112x128xf32, #tpu.memory_space<hbm>>)
    return
  }
}

module attributes {stable_mosaic.version = 14 : i64} {
  func.func @body(%arg0: i32, %arg1: memref<3200x256xf32, #tpu.memory_space<vmem>>, %arg2: memref<256x128xf32, #tpu.memory_space<vmem>>, %arg3: memref<3200x128xf32, #tpu.memory_space<vmem>>) attributes {dimension_semantics = [#tpu.dimension_semantics<arbitrary>], iteration_bounds = array<i64: 1>, scalar_prefetch = 0 : i64, scratch_operands = 0 : i64, tpu.core_type = #tpu.core_type<tc>, window_params = [{transform_indices = @transform_0, window_bounds = array<i64: 3200, 256>}, {transform_indices = @transform_1, window_bounds = array<i64: 256, 128>}, {pipeline_mode = #tpu.pipeline_mode<synchronous>, transform_indices = @transform_2, window_bounds = array<i64: 3200, 128>}]} {
    %get3A = arith.constant 0 : index
    %get3A_0 = arith.constant 0 : index
    %get3A_1 = vector.load %arg1[%get3A, %get3A_0] : memref<3200x256xf32, #tpu.memory_space<vmem>>, vector<3200x256xf32>
    %convert_element_type3A = arith.truncf %get3A_1 : vector<3200x256xf32> to vector<3200x256xbf16>
    %get3A_2 = arith.constant 0 : index
    %get3A_3 = arith.constant 0 : index
    %get3A_4 = vector.load %arg2[%get3A_2, %get3A_3] : memref<256x128xf32, #tpu.memory_space<vmem>>, vector<256x128xf32>
    %convert_element_type3A_5 = arith.truncf %get3A_4 : vector<256x128xf32> to vector<256x128xbf16>
    %dot_general3A = arith.constant dense<0.000000e+00> : vector<3200x128xf32>
    %dot_general3A_6 = tpu.matmul %convert_element_type3A, %convert_element_type3A_5, %dot_general3A {dimension_numbers = #tpu.dot_dimension_numbers<[1], [0], [0], [1], [0, 0, 1, 1], [], []>, transpose_lhs_hint = false} : vector<3200x256xbf16>, vector<256x128xbf16>, vector<3200x128xf32> -> vector<3200x128xf32>
    %swap3A = arith.constant 0 : index
    %swap3A_7 = arith.constant 0 : index
    %swap3A_8 = vector.load %arg3[%swap3A, %swap3A_7] : memref<3200x128xf32, #tpu.memory_space<vmem>>, vector<3200x128xf32>
    tpu.vector_store %arg3[%swap3A, %swap3A_7], %dot_general3A_6 {strides = array<i32>} : memref<3200x128xf32, #tpu.memory_space<vmem>>, vector<3200x128xf32>,
    return
  }
  func.func @transform_0(%arg0: i32) -> (i32, i32) {
    %c0_i32 = arith.constant 0 : i32
    %c0_i32_0 = arith.constant 0 : i32
    %c0_i32_1 = arith.constant 0 : i32
    return %c0_i32, %c0_i32_0 : i32, i32
  }
  func.func @transform_1(%arg0: i32) -> (i32, i32) {
    %c0_i32 = arith.constant 0 : i32
    %c0_i32_0 = arith.constant 0 : i32
    %c0_i32_1 = arith.constant 0 : i32
    return %c0_i32, %c0_i32_0 : i32, i32
  }
  func.func @transform_2(%arg0: i32) -> (i32, i32) {
    %c0_i32 = arith.constant 0 : i32
    %c0_i32_0 = arith.constant 0 : i32
    %c0_i32_1 = arith.constant 0 : i32
    return %c0_i32, %c0_i32_0 : i32, i32
  }
}

module attributes {stable_mosaic.version = 14 : i64} {
  func.func @body(%arg0: i32, %arg1: memref<3136x256xf32, #tpu.memory_space<vmem>>, %arg2: memref<256x128xf32, #tpu.memory_space<vmem>>, %arg3: memref<3136x128xf32, #tpu.memory_space<vmem>>) attributes {dimension_semantics = [#tpu.dimension_semantics<arbitrary>], iteration_bounds = array<i64: 4>, scalar_prefetch = 0 : i64, scratch_operands = 0 : i64, tpu.core_type = #tpu.core_type<tc>, window_params = [{transform_indices = @transform_0, window_bounds = array<i64: 3136, 256>}, {transform_indices = @transform_1, window_bounds = array<i64: 256, 128>}, {transform_indices = @transform_2, window_bounds = array<i64: 3136, 128>}]} {
    %get3A = arith.constant 0 : index
    %get3A_0 = arith.constant 0 : index
    %get3A_1 = vector.load %arg1[%get3A, %get3A_0] : memref<3136x256xf32, #tpu.memory_space<vmem>>, vector<3136x256xf32>
    %convert_element_type3A = arith.truncf %get3A_1 : vector<3136x256xf32> to vector<3136x256xbf16>
    %get3A_2 = arith.constant 0 : index
    %get3A_3 = arith.constant 0 : index
    %get3A_4 = vector.load %arg2[%get3A_2, %get3A_3] : memref<256x128xf32, #tpu.memory_space<vmem>>, vector<256x128xf32>
    %convert_element_type3A_5 = arith.truncf %get3A_4 : vector<256x128xf32> to vector<256x128xbf16>
    %dot_general3A = arith.constant dense<0.000000e+00> : vector<3136x128xf32>
    %dot_general3A_6 = tpu.matmul %convert_element_type3A, %convert_element_type3A_5, %dot_general3A {dimension_numbers = #tpu.dot_dimension_numbers<[1], [0], [0], [1], [0, 0, 1, 1], [], []>, transpose_lhs_hint = false} : vector<3136x256xbf16>, vector<256x128xbf16>, vector<3136x128xf32> -> vector<3136x128xf32>
    %swap3A = arith.constant 0 : index
    %swap3A_7 = arith.constant 0 : index
    %swap3A_8 = vector.load %arg3[%swap3A, %swap3A_7] : memref<3136x128xf32, #tpu.memory_space<vmem>>, vector<3136x128xf32>
    tpu.vector_store %arg3[%swap3A, %swap3A_7], %dot_general3A_6 {strides = array<i32>} : memref<3136x128xf32, #tpu.memory_space<vmem>>, vector<3136x128xf32>,
    return
  }
  func.func @transform_0(%arg0: i32) -> (i32, i32) {
    %c0_i32 = arith.constant 0 : i32
    %c0_i32_0 = arith.constant 0 : i32
    return %arg0, %c0_i32 : i32, i32
  }
  func.func @transform_1(%arg0: i32) -> (i32, i32) {
    %c1_i32 = arith.constant 1 : i32
    %c0_i32 = arith.constant 0 : i32
    %c0_i32_0 = arith.constant 0 : i32
    return %c1_i32, %c0_i32 : i32, i32
  }
  func.func @transform_2(%arg0: i32) -> (i32, i32) {
    %c0_i32 = arith.constant 0 : i32
    %c0_i32_0 = arith.constant 0 : i32
    return %arg0, %c0_i32 : i32, i32
  }
}

module attributes {stable_mosaic.version = 14 : i64} {
  func.func @body(%arg0: memref<12544x128xf32, #tpu.memory_space<vmem>>, %arg1: memref<12544x128xf32, #tpu.memory_space<vmem>>, %arg2: memref<1x128xf32, #tpu.memory_space<vmem>>, %arg3: memref<1x128xf32, #tpu.memory_space<vmem>>, %arg4: memref<128x128xf32, #tpu.memory_space<vmem>>, %arg5: memref<12544x128xf32, #tpu.memory_space<vmem>>) attributes {dimension_semantics = [], scalar_prefetch = 0 : i64, scratch_operands = 0 : i64, tpu.core_type = #tpu.core_type<tc>} {
    %get3A = arith.constant 0 : index
    %get3A_0 = arith.constant 0 : index
    %get3A_1 = vector.load %arg0[%get3A, %get3A_0] : memref<12544x128xf32, #tpu.memory_space<vmem>>, vector<12544x128xf32>
    %get3A_2 = arith.constant 0 : index
    %get3A_3 = arith.constant 0 : index
    %get3A_4 = vector.load %arg1[%get3A_2, %get3A_3] : memref<12544x128xf32, #tpu.memory_space<vmem>>, vector<12544x128xf32>
    %add3A = arith.addf %get3A_1, %get3A_4 : vector<12544x128xf32>
    %iota3A = tpu.iota {dimensions = array<i32: 0>} : vector<12544x128xi32>
    %lt3A = arith.constant 12500 : i32
    %lt3A_5 = vector.broadcast %lt3A : i32 to vector<12544x128xi32>
    %lt3A_6 = arith.cmpi slt, %iota3A, %lt3A_5 : vector<12544x128xi32>
    %jit3A = arith.constant 0.000000e+00 : f32
    %broadcast_in_dim3A = vector.broadcast %jit3A : f32 to vector<12544x128xf32>
    %select_n3A = arith.select %lt3A_6, %add3A, %broadcast_in_dim3A : vector<12544x128xi1>, vector<12544x128xf32>
    %reduce_sum3A = arith.constant dense<0.000000e+00> : vector<128xf32>
    %reduce_sum3A_7 = vector.multi_reduction <add>, %select_n3A, %reduce_sum3A [0] : vector<12544x128xf32> to vector<128xf32>
    %broadcast_in_dim3A_8 = vector.shape_cast %reduce_sum3A_7 : vector<128xf32> to vector<1x128xf32>
    %div3A = arith.constant 1.250000e+04 : f32
    %div3A_9 = vector.broadcast %div3A : f32 to vector<1x128xf32>
    %div3A_10 = arith.divf %broadcast_in_dim3A_8, %div3A_9 : vector<1x128xf32>
    %mul3A = arith.mulf %add3A, %add3A : vector<12544x128xf32>
    %jit3A_11 = arith.constant 0.000000e+00 : f32
    %broadcast_in_dim3A_12 = vector.broadcast %jit3A_11 : f32 to vector<12544x128xf32>
    %select_n3A_13 = arith.select %lt3A_6, %mul3A, %broadcast_in_dim3A_12 : vector<12544x128xi1>, vector<12544x128xf32>
    %reduce_sum3A_14 = arith.constant dense<0.000000e+00> : vector<128xf32>
    %reduce_sum3A_15 = vector.multi_reduction <add>, %select_n3A_13, %reduce_sum3A_14 [0] : vector<12544x128xf32> to vector<128xf32>
    %broadcast_in_dim3A_16 = vector.shape_cast %reduce_sum3A_15 : vector<128xf32> to vector<1x128xf32>
    %div3A_17 = arith.constant 1.250000e+04 : f32
    %div3A_18 = vector.broadcast %div3A_17 : f32 to vector<1x128xf32>
    %div3A_19 = arith.divf %broadcast_in_dim3A_16, %div3A_18 : vector<1x128xf32>
    %mul3A_20 = arith.mulf %div3A_10, %div3A_10 : vector<1x128xf32>
    %sub3A = arith.subf %div3A_19, %mul3A_20 : vector<1x128xf32>
    %add3A_21 = arith.constant 9.99999974E-6 : f32
    %add3A_22 = vector.broadcast %add3A_21 : f32 to vector<1x128xf32>
    %add3A_23 = arith.addf %sub3A, %add3A_22 : vector<1x128xf32>
    %rsqrt3A = math.rsqrt %add3A_23 : vector<1x128xf32>
    %get3A_24 = arith.constant 0 : index
    %get3A_25 = arith.constant 0 : index
    %get3A_26 = vector.load %arg2[%get3A_24, %get3A_25] : memref<1x128xf32, #tpu.memory_space<vmem>>, vector<1x128xf32>
    %mul3A_27 = arith.mulf %rsqrt3A, %get3A_26 : vector<1x128xf32>
    %sub3A_28 = vector.broadcast %div3A_10 : vector<1x128xf32> to vector<12544x128xf32>
    %sub3A_29 = arith.subf %add3A, %sub3A_28 : vector<12544x128xf32>
    %mul3A_30 = vector.broadcast %mul3A_27 : vector<1x128xf32> to vector<12544x128xf32>
    %mul3A_31 = arith.mulf %sub3A_29, %mul3A_30 : vector<12544x128xf32>
    %get3A_32 = arith.constant 0 : index
    %get3A_33 = arith.constant 0 : index
    %get3A_34 = vector.load %arg3[%get3A_32, %get3A_33] : memref<1x128xf32, #tpu.memory_space<vmem>>, vector<1x128xf32>
    %add3A_35 = vector.broadcast %get3A_34 : vector<1x128xf32> to vector<12544x128xf32>
    %add3A_36 = arith.addf %mul3A_31, %add3A_35 : vector<12544x128xf32>
    %ge3A = arith.constant 0.000000e+00 : f32
    %ge3A_37 = vector.broadcast %ge3A : f32 to vector<12544x128xf32>
    %ge3A_38 = arith.cmpf oge, %add3A_36, %ge3A_37 : vector<12544x128xf32>
    %mul3A_39 = arith.constant 1.000000e-01 : f32
    %mul3A_40 = vector.broadcast %mul3A_39 : f32 to vector<12544x128xf32>
    %mul3A_41 = arith.mulf %mul3A_40, %add3A_36 : vector<12544x128xf32>
    %select_n3A_42 = arith.select %ge3A_38, %add3A_36, %mul3A_41 : vector<12544x128xi1>, vector<12544x128xf32>
    %convert_element_type3A = arith.truncf %select_n3A_42 : vector<12544x128xf32> to vector<12544x128xbf16>
    %get3A_43 = arith.constant 0 : index
    %get3A_44 = arith.constant 0 : index
    %get3A_45 = vector.load %arg4[%get3A_43, %get3A_44] : memref<128x128xf32, #tpu.memory_space<vmem>>, vector<128x128xf32>
    %convert_element_type3A_46 = arith.truncf %get3A_45 : vector<128x128xf32> to vector<128x128xbf16>
    %dot_general3A = arith.constant dense<0.000000e+00> : vector<12544x128xf32>
    %dot_general3A_47 = tpu.matmul %convert_element_type3A, %convert_element_type3A_46, %dot_general3A {dimension_numbers = #tpu.dot_dimension_numbers<[1], [0], [0], [1], [0, 0, 1, 1], [], []>, transpose_lhs_hint = false} : vector<12544x128xbf16>, vector<128x128xbf16>, vector<12544x128xf32> -> vector<12544x128xf32>
    %swap3A = arith.constant 0 : index
    %swap3A_48 = arith.constant 0 : index
    %swap3A_49 = vector.load %arg5[%swap3A, %swap3A_48] : memref<12544x128xf32, #tpu.memory_space<vmem>>, vector<12544x128xf32>
    tpu.vector_store %arg5[%swap3A, %swap3A_48], %dot_general3A_47 {strides = array<i32>} : memref<12544x128xf32, #tpu.memory_space<vmem>>, vector<12544x128xf32>,
    return
  }
}

module attributes {stable_mosaic.version = 14 : i64} {
  func.func @body(%arg0: i32, %arg1: memref<6272x128xf32, #tpu.memory_space<vmem>>, %arg2: memref<128x64xf32, #tpu.memory_space<vmem>>, %arg3: memref<64x1xf32, #tpu.memory_space<vmem>>, %arg4: memref<64x6272xf32, #tpu.memory_space<vmem>>) attributes {dimension_semantics = [#tpu.dimension_semantics<arbitrary>], iteration_bounds = array<i64: 8>, scalar_prefetch = 0 : i64, scratch_operands = 0 : i64, tpu.core_type = #tpu.core_type<tc>, window_params = [{transform_indices = @transform_0, window_bounds = array<i64: 6272, 128>}, {transform_indices = @transform_1, window_bounds = array<i64: 128, 64>}, {pipeline_mode = #tpu.pipeline_mode<synchronous>, transform_indices = @transform_2, window_bounds = array<i64: 64, 1>}, {transform_indices = @transform_3, window_bounds = array<i64: 64, 6272>}]} {
    %get3A = arith.constant 0 : index
    %get3A_0 = arith.constant 0 : index
    %get3A_1 = vector.load %arg2[%get3A, %get3A_0] : memref<128x64xf32, #tpu.memory_space<vmem>>, vector<128x64xf32>
    %convert_element_type3A = arith.truncf %get3A_1 : vector<128x64xf32> to vector<128x64xbf16>
    %get3A_2 = arith.constant 0 : index
    %get3A_3 = arith.constant 0 : index
    %get3A_4 = vector.load %arg1[%get3A_2, %get3A_3] : memref<6272x128xf32, #tpu.memory_space<vmem>>, vector<6272x128xf32>
    %convert_element_type3A_5 = arith.truncf %get3A_4 : vector<6272x128xf32> to vector<6272x128xbf16>
    %dot_general3A = arith.constant dense<0.000000e+00> : vector<64x6272xf32>
    %dot_general3A_6 = tpu.matmul %convert_element_type3A, %convert_element_type3A_5, %dot_general3A {dimension_numbers = #tpu.dot_dimension_numbers<[0], [1], [1], [0], [0, 1, 1, 0], [], []>, transpose_lhs_hint = false} : vector<128x64xbf16>, vector<6272x128xbf16>, vector<64x6272xf32> -> vector<64x6272xf32>
    %get3A_7 = arith.constant 0 : index
    %get3A_8 = arith.constant 0 : index
    %get3A_9 = vector.load %arg3[%get3A_7, %get3A_8] : memref<64x1xf32, #tpu.memory_space<vmem>>, vector<64x1xf32>
    %add3A = vector.broadcast %get3A_9 : vector<64x1xf32> to vector<64x6272xf32>
    %add3A_10 = arith.addf %dot_general3A_6, %add3A : vector<64x6272xf32>
    %swap3A = arith.constant 0 : index
    %swap3A_11 = arith.constant 0 : index
    %swap3A_12 = vector.load %arg4[%swap3A, %swap3A_11] : memref<64x6272xf32, #tpu.memory_space<vmem>>, vector<64x6272xf32>
    tpu.vector_store %arg4[%swap3A, %swap3A_11], %add3A_10 {strides = array<i32>} : memref<64x6272xf32, #tpu.memory_space<vmem>>, vector<64x6272xf32>,
    return
  }
  func.func @transform_0(%arg0: i32) -> (i32, i32) {
    %c0_i32 = arith.constant 0 : i32
    %c0_i32_0 = arith.constant 0 : i32
    return %arg0, %c0_i32 : i32, i32
  }
  func.func @transform_1(%arg0: i32) -> (i32, i32) {
    %c1_i32 = arith.constant 1 : i32
    %c0_i32 = arith.constant 0 : i32
    %c0_i32_0 = arith.constant 0 : i32
    return %c1_i32, %c0_i32 : i32, i32
  }
  func.func @transform_2(%arg0: i32) -> (i32, i32) {
    %c0_i32 = arith.constant 0 : i32
    %c0_i32_0 = arith.constant 0 : i32
    %c0_i32_1 = arith.constant 0 : i32
    return %c0_i32, %c0_i32_0 : i32, i32
  }
  func.func @transform_3(%arg0: i32) -> (i32, i32) {
    %c0_i32 = arith.constant 0 : i32
    %c0_i32_0 = arith.constant 0 : i32
    return %c0_i32, %arg0 : i32, i32
  }
}

module attributes {stable_mosaic.version = 14 : i64} {
  func.func @body(%arg0: i32, %arg1: memref<6272x128xf32, #tpu.memory_space<vmem>>, %arg2: memref<64x6272xf32, #tpu.memory_space<vmem>>, %arg3: memref<64x6272xf32, #tpu.memory_space<vmem>>) attributes {dimension_semantics = [#tpu.dimension_semantics<arbitrary>], iteration_bounds = array<i64: 8>, scalar_prefetch = 0 : i64, scratch_operands = 0 : i64, tpu.core_type = #tpu.core_type<tc>, window_params = [{transform_indices = @transform_0, window_bounds = array<i64: 6272, 128>}, {transform_indices = @transform_1, window_bounds = array<i64: 64, 6272>}, {transform_indices = @transform_2, window_bounds = array<i64: 64, 6272>}]} {
    %get3A = arith.constant 0 : index
    %get3A_0 = arith.constant 0 : index
    %get3A_1 = vector.load %arg1[%get3A, %get3A_0] : memref<6272x128xf32, #tpu.memory_space<vmem>>, vector<6272x64xf32>
    %transpose3A = tpu.transpose %get3A_1, [1, 0] : vector<6272x64xf32> -> vector<64x6272xf32>
    %get3A_2 = arith.constant 0 : index
    %get3A_3 = arith.constant 0 : index
    %get3A_4 = vector.load %arg2[%get3A_2, %get3A_3] : memref<64x6272xf32, #tpu.memory_space<vmem>>, vector<64x6272xf32>
    %add3A = arith.addf %transpose3A, %get3A_4 : vector<64x6272xf32>
    %swap3A = arith.constant 0 : index
    %swap3A_5 = arith.constant 0 : index
    %swap3A_6 = vector.load %arg3[%swap3A, %swap3A_5] : memref<64x6272xf32, #tpu.memory_space<vmem>>, vector<64x6272xf32>
    tpu.vector_store %arg3[%swap3A, %swap3A_5], %add3A {strides = array<i32>} : memref<64x6272xf32, #tpu.memory_space<vmem>>, vector<64x6272xf32>,
    return
  }
  func.func @transform_0(%arg0: i32) -> (i32, i32) {
    %c0_i32 = arith.constant 0 : i32
    %c0_i32_0 = arith.constant 0 : i32
    return %arg0, %c0_i32 : i32, i32
  }
  func.func @transform_1(%arg0: i32) -> (i32, i32) {
    %c0_i32 = arith.constant 0 : i32
    %c0_i32_0 = arith.constant 0 : i32
    return %c0_i32, %arg0 : i32, i32
  }
  func.func @transform_2(%arg0: i32) -> (i32, i32) {
    %c0_i32 = arith.constant 0 : i32
    %c0_i32_0 = arith.constant 0 : i32
    return %c0_i32, %arg0 : i32, i32
  }
}

</mosaic_0001>

<sc_bundles>
// kernel: kernel.12.cloned.1.call-start
scs
__scs_entry_jumppad:
0x0: {  	(pc) =	sbr.rel $0x88, $3  }
0x1: {  	(tag) =	ssettag $0x0;
	lr =	simm.s32 $0x1  }
0x2: {  	[smem:$0x3F97] =	sst lr;
	_ =	strace $0xD0000000  }
0x3: {  	_ = 	snop  }
0x4: {  	_ = 	snop  }
0x5: {  	_ = 	snop  }
0x6: {  	_ = 	snop  }
0x7: {  	_ = 	snop  }
__scs_overlays_trampoline_lowered:
0x8: {  	[smem:$0x3FA6] =	sst s0  }
0x9: {  	[smem:$0x3FA7] =	sst s1  }
0xa: {  	[smem:$0x3FA8] =	sst s2  }
0xb: {  	[smem:$0x3FA9] =	sst s3  }
0xc: {  	[smem:$0x3FAA] =	sst s4  }
0xd: {  	[smem:$0x3FAB] =	sst s5  }
0xe: {  	[smem:$0x3FAC] =	sst s6  }
0xf: {  	[smem:$0x3FAD] =	sst s7  }
0x10: {  	[smem:$0x3FAE] =	sst s8  }
0x11: {  	[smem:$0x3FAF] =	sst s9;
	s0 =	simm.s32 @!p0 $0x0  }
0x12: {  	s1 =	sld [smem:$0x3F95];
	s0 =	simm.s32 @p0 $0x1  }
0x13: {  	[smem:$0x3FB0] =	sst s0;
	s0 =	simm.s32 @!p1 $0x0  }
0x14: {  	s2 =	sld [smem:$0x3F94];
	s0 =	simm.s32 @p1 $0x1  }
0x15: {  	[smem:$0x3FB1] =	sst s0;
	s0 =	simm.s32 @!p2 $0x0  }
0x16: {  	s3 =	sld [smem:$0x3FDB];
	s0 =	simm.s32 @p2 $0x1  }
0x17: {  	s4 =	simm.s32 $0x1BF5;
	[smem:$0x3FB3] =	sst s0  }
0x18: {  	s0 =	sld [smem:$0x3F96];
	_ =	swait.ge [sflag:s4], $0x0  }
0x19: {  	s7 =	sld [smem:$0x3F97]  }
0x1a: {  	s8 =	sadd.s32 $0xFFFFE003, lr  }
0x1b: {  	s9 =	sadd.s32 $0xFFFFFEF7, lr;
	s5 =	simm.s32 $0xFFFFFFFF;
	p2 =	slt.u32 s8, $0xFFFFF086  }
0x1c: {  	p1 =	slt.u32 s9, $0xF7A;
	s5 =	simm.s32 @!p2 $0x0  }
0x1d: {  	s5 =	simm.s32 @p1 $0x1;
	p0 =	seq.s32 s7, s2  }
0x1e: {  	s7 =	smul.u32 @!p0 $0xF7A, s2;
	p2 =	seq.s32 @!p0 s5, $0x0  }
0x1f: {  	s9 =	smul.u32 $0xF7A, s1;
	s8 =	simm.s32 @!p0 $0x1BF5;
	p2 =	por !p2, p0  }
0x20: {  	[sflag:s8] =	ssyncset.s32 @!p0 $0xFFFFF086;
	s6 =	sadd.s32 @!p0 s3, s7;
	s7 =	simm.s32 @!p0 $0x108  }
0x21: {  	s3 =	sadd.s32 s3, s9;
	s6 =	sadd.s32 @!p0 $0x88, s6;
	s7 =	simm.s32 @p2 $0x1082  }
0x22: {  	[simem:s7], [sflag:s8] =	dma.local @!p0 [hbm:s6], $0xF7A  }
0x23: {  	s9 =	sor.u32 $0xD0000000, s2;
	s6 =	simm.s32 $0x108;
	_ =	swait.ge @!p0 [sflag:s8], $0x0  }
0x24: {  	s3 =	sadd.s32 $0x88, s3;
	s6 =	simm.s32 @!p1 $0x1082;
	[sflag:s4] =	ssyncset.s32 $0xFFFFF086  }
0x25: {  	[simem:s6], [sflag:s4] =	dma.local [hbm:s3], $0xF7A  }
0x26: {  	[smem:$0x3F97] =	sst s1;
	(tag) =	ssettag s2;
	_ =	strace s9  }
0x27: {  	s1 =	sld [smem:$0x3FA7]  }
0x28: {  	s2 =	sld [smem:$0x3FA8]  }
0x29: {  	s4 =	sld [smem:$0x3FAA]  }
0x2a: {  	p0 =	seq.s32 s5, $0x0;
	s5 =	sld [smem:$0x3FAB]  }
0x2b: {  	s6 =	sld [smem:$0x3FAC]  }
0x2c: {  	s7 =	sld [smem:$0x3FAD]  }
0x2d: {  	s3 =	simm.s32 $0x108;
	s8 =	sld [smem:$0x3FAE]  }
0x2e: {  	s3 =	simm.s32 @!p0 $0x1082;
	s9 =	sld [smem:$0x3FAF]  }
0x2f: {  	lr =	sadd.s32 s0, s3;
	s0 =	sld [smem:$0x3FA6]  }
0x30: {  	s3 =	sld [smem:$0x3FA9]  }
0x31: {  	[smem:$0x3FB2] =	sst s10  }
0x32: {  	s10 =	sld [smem:$0x3FB0];
	_ =	sdelay $0x3  }
0x33: {  	p0 =	seq.s32 s10, $0x1;
	s10 =	sld [smem:$0x3FB2];
	_ =	sdelay $0x3  }
0x34: {  	[smem:$0x3FB2] =	sst s10  }
0x35: {  	s10 =	sld [smem:$0x3FB1];
	_ =	sdelay $0x3  }
0x36: {  	p1 =	seq.s32 s10, $0x1;
	s10 =	sld [smem:$0x3FB2];
	_ =	sdelay $0x3  }
0x37: {  	[smem:$0x3FB2] =	sst s10  }
0x38: {  	s10 =	sld [smem:$0x3FB3]  }
0x39: {  	_ = 	snop;
	(pc) =	sbr.ind lr, $3  }
0x3a: {  	_ = 	snop  }
0x3b: {  	_ = 	snop  }
0x3c: {  	p2 =	seq.s32 s10, $0x1;
	s10 =	sld [smem:$0x3FB2]  }
0x3d: {  	_ =	shalt  }
0x3e: {  	_ =	shalt  }
0x3f: {  	_ =	shalt  }
0x40: {  	_ =	shalt  }
0x41: {  	_ =	shalt  }
0x42: {  	_ =	shalt  }
0x43: {  	_ =	shalt  }
0x44: {  	_ =	shalt  }
0x45: {  	_ =	shalt  }
0x46: {  	_ =	shalt  }
0x47: {  	_ =	shalt  }
0x48: {  	_ =	shalt  }
0x49: {  	_ =	shalt  }
0x4a: {  	_ =	shalt  }
0x4b: {  	_ =	shalt  }
0x4c: {  	_ =	shalt  }
0x4d: {  	_ =	shalt  }
0x4e: {  	_ =	shalt  }
0x4f: {  	_ =	shalt  }
0x50: {  	_ =	shalt  }
0x51: {  	_ =	shalt  }
0x52: {  	_ =	shalt  }
0x53: {  	_ =	shalt  }
0x54: {  	_ =	shalt  }
0x55: {  	_ =	shalt  }
0x56: {  	_ =	shalt  }
0x57: {  	_ =	shalt  }
0x58: {  	_ =	shalt  }
0x59: {  	_ =	shalt  }
0x5a: {  	_ =	shalt  }
0x5b: {  	_ =	shalt  }
0x5c: {  	_ =	shalt  }
0x5d: {  	_ =	shalt  }
0x5e: {  	_ =	shalt  }
0x5f: {  	_ =	shalt  }
0x60: {  	_ =	shalt  }
0x61: {  	_ =	shalt  }
0x62: {  	_ =	shalt  }
0x63: {  	_ =	shalt  }
0x64: {  	_ =	shalt  }
0x65: {  	_ =	shalt  }
0x66: {  	_ =	shalt  }
0x67: {  	_ =	shalt  }
0x68: {  	_ =	shalt  }
0x69: {  	_ =	shalt  }
0x6a: {  	_ =	shalt  }
0x6b: {  	_ =	shalt  }
0x6c: {  	_ =	shalt  }
0x6d: {  	_ =	shalt  }
0x6e: {  	_ =	shalt  }
0x6f: {  	_ =	shalt  }
0x70: {  	_ =	shalt  }
0x71: {  	_ =	shalt  }
0x72: {  	_ =	shalt  }
0x73: {  	_ =	shalt  }
0x74: {  	_ =	shalt  }
0x75: {  	_ =	shalt  }
0x76: {  	_ =	shalt  }
0x77: {  	_ =	shalt  }
0x78: {  	_ =	shalt  }
0x79: {  	_ =	shalt  }
0x7a: {  	_ =	shalt  }
0x7b: {  	_ =	shalt  }
0x7c: {  	_ =	shalt  }
0x7d: {  	_ =	shalt  }
0x7e: {  	_ =	shalt  }
0x7f: {  	_ =	shalt  }
0x80: {  	_ =	shalt  }
0x81: {  	_ =	shalt  }
0x82: {  	_ =	shalt  }
0x83: {  	_ =	shalt  }
0x84: {  	_ =	shalt  }
0x85: {  	_ =	shalt  }
0x86: {  	_ =	shalt  }
0x87: {  	_ =	shalt  }
.Lfunc_end0:
.L_simem_size_0:
called_computation.1_lowered:
.L_overlay_start_0:
0x88: {  	s2 =	sld [smem:$0x3FD9]  }
0x89: {  	s3 =	sld [smem:$0x3FFE];
	_ =	sdelay $0x1  }
0x8a: {  	s1 =	srdreg.scid  }
0x8b: {  	s0 =	sand.u32 $0x1, s1  }
0x8c: {  	s17 =	sshll.u32 s0, $0xA;
	s2 =	sadd.s32 s3, s2  }
0x8d: {  	s2 =	sadd.s32 s2, s17  }
0x8e: {  	[smem:$0x3FBE] =	sst s2  }
0x8f: {  	_ = 	snop  }
0x90: {  	s2 =	sld [smem:$0x3FD0];
	(tm) =	ssettm $0x1  }
0x91: {  	s18 =	sld [smem:$0x3FFB];
	_ =	sdelay $0x3  }
0x92: {  	_ =	strace s18  }
0x93: {  	s3 =	sld [smem:$0x3FFC];
	_ =	sdelay $0x3  }
0x94: {  	_ =	strace s3  }
0x95: {  	s3 =	sld [smem:$0x3FFD];
	_ =	sdelay $0x3  }
0x96: {  	_ =	strace s3  }
0x97: {  	_ =	strace $0x8FFFFFFF  }
0x98: {  	s19 =	sld [smem:$0x3FDB];
	_ =	sdelay $0x1  }
0x99: {  	s4 =	simm.s32 $_scs_section_size  }
0x9a: {  	s5 =	simm.s32 $_size__tile_overlayer_lowered;
	s6 =	simm.s32 $_tile_overlayer_lowered  }
0x9b: {  	s22 =	simm.s32 $0x1BFF;
	s21 =	sshll.u32 s6, $0x1;
	s3 =	sadd.s32 s4, s19  }
0x9c: {  	s7 =	simm.s32 $0x0;
	s20 =	sshll.u32 s5, $0x1;
	s5 =	sadd.s32 s21, s3  }
0x9d: {  	[timem:s7], [sflag:s22] =	dma.local [hbm:s5], s20  }
0x9e: {  	_ =	swait.ge [sflag:s22], s20  }
0x9f: {  	s4 =	ssub.s32 $0x0, s20;
	[sflag:s22] =	ssyncset.done $0x0  }
0xa0: {  	[sflag:s22] =	ssyncadd.s32 s4;
	_ =	sdelay $0x1  }
0xa1: {  	s23 =	simm.s32 $0x1B8B  }
0xa2: {  	_ =	swait.ge [sflag:s23], $0x1  }
0xa3: {  	[sflag:s23] =	ssyncset.done $0x0  }
0xa4: {  	s25 =	simm.s32 $0x1B8E;
	s24 =	sld [smem:$0x3FFE];
	[sflag:s23] =	ssyncadd.s32 $0xFFFFFFFF  }
0xa5: {  	s26 =	simm.s32 $execute0_lowered;
	[smem:$0x3FD2] =	sst s25  }
0xa6: {  	s5 =	sshll.u32 s26, $0x1;
	_ =	strace $0x80000049;
	[dreg:$0x1] =	wrdreg $0xFFFFFFFF  }
0xa7: {  	s28 =	simm.s32 $_size_execute0_lowered;
	s3 =	sadd.s32 s3, s5;
	[dreg:$0x0] =	wrdreg $0x0  }
0xa8: {  	s5 =	sshll.u32 s28, $0x1;
	[dreg:$0x2] =	wrdreg s3  }
0xa9: {  	[dreg:$0x3] =	wrdreg s5  }
0xaa: {  	[dreg:$0x4] =	wrdreg $0xC0  }
0xab: {  	_ =	task [dreg:s7], $0x5FFFF  }
0xac: {  	[dreg:$0x1] =	wrdreg $0xFFFFFFFF  }
0xad: {  	[dreg:$0x0] =	wrdreg $0x60  }
0xae: {  	[dreg:$0x2] =	wrdreg s2  }
0xaf: {  	[dreg:$0x3] =	wrdreg s24  }
0xb0: {  	[dreg:$0x4] =	wrdreg $0x9  }
0xb1: {  	_ =	task.clear_ibuf [dreg:s7], $0x5FFFF;
	_ =	strace $0x90000049  }
0xb2: {  	s29 =	simm.s32 $0x9;
	_ =	strace $0x8000004B  }
0xb3: {  	_ =	swait.ge [sflag:s29], $0x1  }
0xb4: {  	[sflag:s29] =	ssyncadd.s32 $0xFFFFFFFF  }
0xb5: {  	_ =	strace $0x9000004B  }
0xb6: {  	_ =	sfence  }
0xb7: {  	s30 =	sld [smem:$0x0];
	_ =	sdelay $0x2  }
0xb8: {  	s31 =	sshll.u32 s1, $0xD;
	s1 =	sshrl.u32 s1, $0x2  }
0xb9: {  	s3 =	sand.u32 $0x4000, s31;
	s1 =	sadd.s32 s1, s30  }
0xba: {  	s0 =	sor.u32 s3, s0;
	s1 =	sshll.u32 s1, $0x11  }
0xbb: {  	s0 =	sor.u32 s1, s0  }
0xbc: {  	s0 =	sadd.s32 $0x8F2B, s0  }
0xbd: {  	[sflag:s0] =	ssyncadd.remote.s32 $0x1  }
0xbe: {  	_ =	sfence.sel $0xFFFF  }
0xbf: {  	[dreg:$0x0] =	wrdreg $0xFFFFFFFF;
	(pc) =	sbr.abs _section_cstart, $3  }
0xc0: {  	[dreg:$0x1] =	wrdreg $0xFFFFFFFF  }
0xc1: {  	_ =	task.clear_ibuf [dreg:s7], $0x2FFFF;
	_ =	strace $0x9FFFFFFF  }
0xc2: {  	(tm) =	ssettm $0x7FFFFFFF  }
0xc3: {  	_ =	shalt  }
tec
execute0_lowered:
.L_overlay_start_1:
0x0: {  	(tag) =	ssettag $0x1  }
0x1: {  	s0 =	srdreg.scid;
	s2 =	stileid.u32  }
0x2: {  	s3 =	rddreg [dreg:$0x0];
	s0 =	sand.u32 $0x1, s0;
	s4 =	sshll.u32 s2, $0x1  }
0x3: {  	s1 =	rddreg [dreg:$0x1];
	s2 =	simm.s32 $0x0;
	s4 =	sor.u32 s0, s4  }
0x4: {  	[smem:$0x7FF] =	sst s2;
	s0 =	ssub.s32 $0x2, s0;
	s6 =	smul.u32 $0x31000, s4  }
0x5: {  	s5 =	sshll.u32 s4, $0x8;
	_ =	strace $0x8000004A;
	s4 =	smul.u32 $0x6200, s4  }
0x6: {  	s24 =	sshrl.u32 s0, $0x1;
	s5 =	sadd.s32 s5, s1;
	s1 =	sadd.s32 $0x11C00, s1  }
0x7: {  	s0 =	ssub.s32 s0, s24;
	s5 =	sadd.s32 $0xFC00, s5;
	s6 =	sshrl.u32 s6, $0x3  }
0x8: {  	s4 =	sadd.s32 s1, s4;
	s0 =	smax.u32 s0, $0x1;
	[dreg:$0x3] =	wrdreg s5  }
0x9: {  	s1 =	sadd.s32 s1, s6;
	[dreg:$0x4] =	wrdreg s4;
	p1 =	sne.s32 s0, $0x1  }
0xa: {  	s15 =	sadd.s32 $0x700, s1;
	s16 =	sadd.s32 $0xE00, s1;
	s17 =	sadd.s32 $0x1500, s1  }
0xb: {  	s18 =	sadd.s32 $0x1C00, s1;
	s19 =	sadd.s32 $0x2300, s1;
	s20 =	sadd.s32 $0x2A00, s1  }
0xc: {  	s21 =	sadd.s32 $0x3100, s1;
	s22 =	sadd.s32 $0x3800, s1;
	s23 =	sadd.s32 $0x3F00, s1  }
0xd: {  	s25 =	sadd.s32 $0x4600, s1;
	s26 =	sadd.s32 $0x4D00, s1;
	s6 =	sadd.s32 $0x5400, s1  }
0xe: {  	s5 =	sadd.s32 $0x5B00, s1;
	s1 =	sadd.s32 $0xFFFFFFFF, s0;
	s0 =	rddreg [dreg:$0x3]  }
0xf: {  	[dreg:$0x5] =	wrdreg s15  }
0x10: {  	[dreg:$0x6] =	wrdreg s16  }
0x11: {  	s14 =	simm.s32 $0x70;
	s13 =	simm.s32 $0x800;
	[dreg:$0x7] =	wrdreg s17  }
0x12: {  	s12 =	simm.s32 $0x4000;
	s11 =	simm.s32 $0x7800;
	[dreg:$0x8] =	wrdreg s18  }
0x13: {  	s9 =	simm.s32 $0xB000;
	s8 =	simm.s32 $0xE800;
	[dreg:$0x9] =	wrdreg s19  }
0x14: {  	s28 =	simm.s32 $0x280;
	s7 =	simm.s32 $0x12000;
	[dreg:$0xa] =	wrdreg s20  }
0x15: {  	s30 =	simm.s32 $0x300;
	s31 =	simm.s32 $0x380;
	[dreg:$0xb] =	wrdreg s21  }
0x16: {  	s10 =	simm.s32 $0x1;
	p0 =	por $0x0, $0x0;
	[dreg:$0xc] =	wrdreg s22  }
0x17: {  	s29 =	simm.s32 $0x400;
	s24 =	simm.s32 $0x100;
	[dreg:$0xd] =	wrdreg s23  }
.Ltmp0:
0x18: {  	s4 =	simm.s32 $0x2;
	[dreg:$0xe] =	wrdreg s25;
	(pc) =	sbr.rel @!p1 .LBB2_3-.Ltmp0, $4  }
0x19: {  	[dreg:$0xf] =	wrdreg s26;
	s22 =	simm.s32 $0x3;
	s23 =	simm.s32 $0x80  }
0x1a: {  	s25 =	simm.s32 $0x180;
	s26 =	simm.s32 $0x200;
	s16 =	simm.s32 $0x15800  }
0x1b: {  	s15 =	simm.s32 $0x19000;
	s21 =	simm.s32 $0x480;
	s20 =	simm.s32 $0x500  }
0x1c: {  	s19 =	simm.s32 $0x580;
	s18 =	simm.s32 $0x600;
	s17 =	simm.s32 $0x680  }
0x1d: {  	[tilespmem:s2], [sflag:$0x3] =	stream.linear.gather [hbm4b:s0+s2], $0x700, $0x38;
	[tilespmem:$0x1C800] =	vst v63  }
0x1e: {  	_ =	swait.ge [sflag:s22], $0x700  }
0x1f: {  	[sflag:s22] =	ssyncset.done $0x0  }
0x20: {  	[sflag:s22] =	ssyncadd.s32 $0xFFFFF900  }
0x21: {  	[tilespmem:s13], [sflag:$0x1] =	stream.indirect.gather [hbm4b:s3+s14], $0x80, s2, s14, $0xb8;
	[tilespmem:$0x1C800] =	vst v63  }
0x22: {  	_ = 	snop  }
0x23: {  	[tilespmem:s12], [sflag:$0x1] =	stream.indirect.gather [hbm4b:s3+s14], $0x80, s23, s14, $0xb8;
	[tilespmem:$0x1C800] =	vst v63  }
0x24: {  	_ = 	snop  }
0x25: {  	[tilespmem:s11], [sflag:$0x1] =	stream.indirect.gather [hbm4b:s3+s14], $0x80, s24, s14, $0xb8;
	[tilespmem:$0x1C800] =	vst v63  }
0x26: {  	_ = 	snop  }
0x27: {  	[tilespmem:s9], [sflag:$0x1] =	stream.indirect.gather [hbm4b:s3+s14], $0x80, s25, s14, $0xb8;
	[tilespmem:$0x1C800] =	vst v63  }
0x28: {  	_ = 	snop  }
0x29: {  	[tilespmem:s8], [sflag:$0x1] =	stream.indirect.gather [hbm4b:s3+s14], $0x80, s26, s14, $0xb8;
	[tilespmem:$0x1C800] =	vst v63  }
0x2a: {  	_ = 	snop  }
0x2b: {  	[tilespmem:s7], [sflag:$0x1] =	stream.indirect.gather [hbm4b:s3+s14], $0x80, s28, s14, $0xb8;
	[tilespmem:$0x1C800] =	vst v63  }
0x2c: {  	_ = 	snop  }
0x2d: {  	[tilespmem:s16], [sflag:$0x1] =	stream.indirect.gather [hbm4b:s3+s14], $0x80, s30, s14, $0xb8;
	[tilespmem:$0x1C800] =	vst v63  }
0x2e: {  	_ = 	snop  }
0x2f: {  	[tilespmem:s15], [sflag:$0x1] =	stream.indirect.gather [hbm4b:s3+s14], $0x80, s31, s14, $0xb8;
	[tilespmem:$0x1C800] =	vst v63  }
0x30: {  	_ =	swait.ge [sflag:s10], $0x3800  }
0x31: {  	[sflag:s10] =	ssyncset.done $0x0  }
0x32: {  	s0 =	rddreg [dreg:$0x4];
	[sflag:s10] =	ssyncadd.s32 $0xFFFFC800  }
0x33: {  	[hbm4b:s0+s2] =	stream.linear.scatter [tilespmem:s13], [sflag:$0x2], $0x3800, $0x38;
	[tilespmem:$0x1C800] =	vst v63  }
0x34: {  	_ =	swait.ge [sflag:s4], $0x3800  }
0x35: {  	[sflag:s4] =	ssyncset.done $0x0  }
0x36: {  	[sflag:s4] =	ssyncadd.s32 $0xFFFFC800  }
0x37: {  	[tilespmem:s13], [sflag:$0x1] =	stream.indirect.gather [hbm4b:s3+s14], $0x80, s29, s14, $0xb8;
	[tilespmem:$0x1C800] =	vst v63  }
0x38: {  	_ =	swait.ge [sflag:s10], $0x3800  }
0x39: {  	[sflag:s10] =	ssyncset.done $0x0  }
0x3a: {  	s0 =	rddreg [dreg:$0x5];
	[sflag:s10] =	ssyncadd.s32 $0xFFFFC800  }
0x3b: {  	[hbm4b:s0+s2] =	stream.linear.scatter [tilespmem:s12], [sflag:$0x2], $0x3800, $0x38;
	[tilespmem:$0x1C800] =	vst v63  }
0x3c: {  	_ =	swait.ge [sflag:s4], $0x3800  }
0x3d: {  	[sflag:s4] =	ssyncset.done $0x0  }
0x3e: {  	[sflag:s4] =	ssyncadd.s32 $0xFFFFC800  }
0x3f: {  	[tilespmem:s12], [sflag:$0x1] =	stream.indirect.gather [hbm4b:s3+s14], $0x80, s21, s14, $0xb8;
	[tilespmem:$0x1C800] =	vst v63  }
0x40: {  	_ =	swait.ge [sflag:s10], $0x3800  }
0x41: {  	[sflag:s10] =	ssyncset.done $0x0  }
0x42: {  	s0 =	rddreg [dreg:$0x6];
	[sflag:s10] =	ssyncadd.s32 $0xFFFFC800  }
0x43: {  	[hbm4b:s0+s2] =	stream.linear.scatter [tilespmem:s11], [sflag:$0x2], $0x3800, $0x38;
	[tilespmem:$0x1C800] =	vst v63  }
0x44: {  	_ =	swait.ge [sflag:s4], $0x3800  }
0x45: {  	[sflag:s4] =	ssyncset.done $0x0  }
0x46: {  	[sflag:s4] =	ssyncadd.s32 $0xFFFFC800  }
0x47: {  	[tilespmem:s11], [sflag:$0x1] =	stream.indirect.gather [hbm4b:s3+s14], $0x80, s20, s14, $0xb8;
	[tilespmem:$0x1C800] =	vst v63  }
0x48: {  	_ =	swait.ge [sflag:s10], $0x3800  }
0x49: {  	[sflag:s10] =	ssyncset.done $0x0  }
0x4a: {  	s0 =	rddreg [dreg:$0x7];
	[sflag:s10] =	ssyncadd.s32 $0xFFFFC800  }
0x4b: {  	[hbm4b:s0+s2] =	stream.linear.scatter [tilespmem:s9], [sflag:$0x2], $0x3800, $0x38;
	[tilespmem:$0x1C800] =	vst v63  }
0x4c: {  	_ =	swait.ge [sflag:s4], $0x3800  }
0x4d: {  	[sflag:s4] =	ssyncset.done $0x0  }
0x4e: {  	[sflag:s4] =	ssyncadd.s32 $0xFFFFC800  }
0x4f: {  	[tilespmem:s9], [sflag:$0x1] =	stream.indirect.gather [hbm4b:s3+s14], $0x80, s19, s14, $0xb8;
	[tilespmem:$0x1C800] =	vst v63  }
0x50: {  	_ =	swait.ge [sflag:s10], $0x3800  }
0x51: {  	[sflag:s10] =	ssyncset.done $0x0  }
0x52: {  	s0 =	rddreg [dreg:$0x8];
	[sflag:s10] =	ssyncadd.s32 $0xFFFFC800  }
0x53: {  	[hbm4b:s0+s2] =	stream.linear.scatter [tilespmem:s8], [sflag:$0x2], $0x3800, $0x38;
	[tilespmem:$0x1C800] =	vst v63  }
0x54: {  	_ =	swait.ge [sflag:s4], $0x3800  }
0x55: {  	[sflag:s4] =	ssyncset.done $0x0  }
0x56: {  	[sflag:s4] =	ssyncadd.s32 $0xFFFFC800  }
0x57: {  	[tilespmem:s8], [sflag:$0x1] =	stream.indirect.gather [hbm4b:s3+s14], $0x80, s18, s14, $0xb8;
	[tilespmem:$0x1C800] =	vst v63  }
0x58: {  	_ =	swait.ge [sflag:s10], $0x3800  }
0x59: {  	[sflag:s10] =	ssyncset.done $0x0  }
0x5a: {  	s0 =	rddreg [dreg:$0x9];
	[sflag:s10] =	ssyncadd.s32 $0xFFFFC800  }
0x5b: {  	[hbm4b:s0+s2] =	stream.linear.scatter [tilespmem:s7], [sflag:$0x2], $0x3800, $0x38;
	[tilespmem:$0x1C800] =	vst v63  }
0x5c: {  	_ =	swait.ge [sflag:s4], $0x3800  }
0x5d: {  	[sflag:s4] =	ssyncset.done $0x0  }
0x5e: {  	[sflag:s4] =	ssyncadd.s32 $0xFFFFC800  }
0x5f: {  	[tilespmem:s7], [sflag:$0x1] =	stream.indirect.gather [hbm4b:s3+s14], $0x80, s17, s14, $0xb8;
	[tilespmem:$0x1C800] =	vst v63  }
0x60: {  	_ =	swait.ge [sflag:s10], $0x3800  }
0x61: {  	[sflag:s10] =	ssyncset.done $0x0  }
0x62: {  	s0 =	rddreg [dreg:$0xa];
	[sflag:s10] =	ssyncadd.s32 $0xFFFFC800  }
0x63: {  	[hbm4b:s0+s2] =	stream.linear.scatter [tilespmem:s16], [sflag:$0x2], $0x3800, $0x38;
	[tilespmem:$0x1C800] =	vst v63  }
0x64: {  	_ =	swait.ge [sflag:s10], $0x3800  }
0x65: {  	[sflag:s10] =	ssyncset.done $0x0  }
0x66: {  	s0 =	rddreg [dreg:$0xb];
	[sflag:s10] =	ssyncadd.s32 $0xFFFFC800  }
0x67: {  	[hbm4b:s0+s2] =	stream.linear.scatter [tilespmem:s15], [sflag:$0x2], $0x3800, $0x38;
	[tilespmem:$0x1C800] =	vst v63  }
0x68: {  	_ =	swait.ge [sflag:s10], $0x3800  }
0x69: {  	[sflag:s10] =	ssyncset.done $0x0  }
0x6a: {  	s0 =	rddreg [dreg:$0xc];
	[sflag:s10] =	ssyncadd.s32 $0xFFFFC800  }
0x6b: {  	[hbm4b:s0+s2] =	stream.linear.scatter [tilespmem:s13], [sflag:$0x2], $0x3800, $0x38;
	[tilespmem:$0x1C800] =	vst v63  }
0x6c: {  	_ =	swait.ge [sflag:s10], $0x3800  }
0x6d: {  	[sflag:s10] =	ssyncset.done $0x0  }
0x6e: {  	s0 =	rddreg [dreg:$0xd];
	[sflag:s10] =	ssyncadd.s32 $0xFFFFC800  }
0x6f: {  	[hbm4b:s0+s2] =	stream.linear.scatter [tilespmem:s12], [sflag:$0x2], $0x3800, $0x38;
	[tilespmem:$0x1C800] =	vst v63  }
0x70: {  	_ =	swait.ge [sflag:s10], $0x3800  }
0x71: {  	[sflag:s10] =	ssyncset.done $0x0  }
0x72: {  	s0 =	rddreg [dreg:$0xe];
	[sflag:s10] =	ssyncadd.s32 $0xFFFFC800  }
0x73: {  	[hbm4b:s0+s2] =	stream.linear.scatter [tilespmem:s11], [sflag:$0x2], $0x3800, $0x38;
	[tilespmem:$0x1C800] =	vst v63  }
0x74: {  	_ =	swait.ge [sflag:s10], $0x3800  }
0x75: {  	[sflag:s10] =	ssyncset.done $0x0  }
0x76: {  	s0 =	rddreg [dreg:$0xf];
	[sflag:s10] =	ssyncadd.s32 $0xFFFFC800  }
0x77: {  	[hbm4b:s0+s2] =	stream.linear.scatter [tilespmem:s9], [sflag:$0x2], $0x3800, $0x38;
	[tilespmem:$0x1C800] =	vst v63  }
0x78: {  	_ =	swait.ge [sflag:s10], $0x3800  }
0x79: {  	[sflag:s10] =	ssyncset.done $0x0  }
0x7a: {  	[sflag:s10] =	ssyncadd.s32 $0xFFFFC800  }
0x7b: {  	[hbm4b:s6+s2] =	stream.linear.scatter [tilespmem:s8], [sflag:$0x2], $0x3800, $0x38;
	[tilespmem:$0x1C800] =	vst v63  }
0x7c: {  	_ =	swait.ge [sflag:s10], $0x3800  }
0x7d: {  	[sflag:s10] =	ssyncset.done $0x0  }
0x7e: {  	[sflag:s10] =	ssyncadd.s32 $0xFFFFC800  }
0x7f: {  	[hbm4b:s5+s2] =	stream.linear.scatter [tilespmem:s7], [sflag:$0x2], $0x3800, $0x38;
	[tilespmem:$0x1C800] =	vst v63  }
0x80: {  	_ =	swait.ge [sflag:s4], $0x3800  }
0x81: {  	[sflag:s4] =	ssyncset.done $0x0  }
0x82: {  	[sflag:s4] =	ssyncadd.s32 $0xFFFFC800  }
0x83: {  	_ =	swait.ge [sflag:s4], $0x3800  }
0x84: {  	[sflag:s4] =	ssyncset.done $0x0  }
0x85: {  	[sflag:s4] =	ssyncadd.s32 $0xFFFFC800  }
0x86: {  	_ =	swait.ge [sflag:s4], $0x3800  }
0x87: {  	[sflag:s4] =	ssyncset.done $0x0  }
0x88: {  	[sflag:s4] =	ssyncadd.s32 $0xFFFFC800  }
0x89: {  	_ =	swait.ge [sflag:s4], $0x3800  }
0x8a: {  	[sflag:s4] =	ssyncset.done $0x0  }
0x8b: {  	[sflag:s4] =	ssyncadd.s32 $0xFFFFC800  }
0x8c: {  	_ =	swait.ge [sflag:s4], $0x3800  }
0x8d: {  	[sflag:s4] =	ssyncset.done $0x0  }
0x8e: {  	[sflag:s4] =	ssyncadd.s32 $0xFFFFC800  }
0x8f: {  	_ =	swait.ge [sflag:s4], $0x3800  }
0x90: {  	[sflag:s4] =	ssyncset.done $0x0  }
0x91: {  	p1 =	sne.s32 s1, $0x1;
	[sflag:s4] =	ssyncadd.s32 $0xFFFFC800  }
.Ltmp1:
0x92: {  	_ =	swait.ge [sflag:s4], $0x3800;
	(pc) =	sbr.rel @!p1 .LBB2_3-.Ltmp1, $4  }
0x93: {  	[sflag:s4] =	ssyncset.done $0x0  }
0x94: {  	[sflag:s4] =	ssyncadd.s32 $0xFFFFC800  }
0x95: {  	s1 =	sadd.s32 $0xFFFFFFFF, s1;
	_ =	swait.ge [sflag:s4], $0x3800  }
0x96: {  	p0 =	por $0x1, $0x1;
	s0 =	rddreg [dreg:$0x3];
	[sflag:s4] =	ssyncset.done $0x0  }
.LBB2_2:
0x97: {  	[sflag:s4] =	ssyncadd.s32 $0xFFFFC800  }
0x98: {  	[tilespmem:s2], [sflag:$0x3] =	stream.linear.gather [hbm4b:s0+s2], $0x700, $0x38;
	[tilespmem:$0x1C800] =	vst v63  }
0x99: {  	_ =	swait.ge [sflag:s22], $0x700  }
0x9a: {  	[sflag:s22] =	ssyncset.done $0x0  }
0x9b: {  	[sflag:s22] =	ssyncadd.s32 $0xFFFFF900  }
0x9c: {  	[tilespmem:s13], [sflag:$0x1] =	stream.indirect.gather [hbm4b:s3+s14], $0x80, s2, s14, $0xb8;
	[tilespmem:$0x1C800] =	vst v63  }
0x9d: {  	_ = 	snop  }
0x9e: {  	[tilespmem:s12], [sflag:$0x1] =	stream.indirect.gather [hbm4b:s3+s14], $0x80, s23, s14, $0xb8;
	[tilespmem:$0x1C800] =	vst v63  }
0x9f: {  	_ = 	snop  }
0xa0: {  	[tilespmem:s11], [sflag:$0x1] =	stream.indirect.gather [hbm4b:s3+s14], $0x80, s24, s14, $0xb8;
	[tilespmem:$0x1C800] =	vst v63  }
0xa1: {  	_ = 	snop  }
0xa2: {  	[tilespmem:s9], [sflag:$0x1] =	stream.indirect.gather [hbm4b:s3+s14], $0x80, s25, s14, $0xb8;
	[tilespmem:$0x1C800] =	vst v63  }
0xa3: {  	_ = 	snop  }
0xa4: {  	[tilespmem:s8], [sflag:$0x1] =	stream.indirect.gather [hbm4b:s3+s14], $0x80, s26, s14, $0xb8;
	[tilespmem:$0x1C800] =	vst v63  }
0xa5: {  	_ = 	snop  }
0xa6: {  	[tilespmem:s7], [sflag:$0x1] =	stream.indirect.gather [hbm4b:s3+s14], $0x80, s28, s14, $0xb8;
	[tilespmem:$0x1C800] =	vst v63  }
0xa7: {  	_ = 	snop  }
0xa8: {  	[tilespmem:s16], [sflag:$0x1] =	stream.indirect.gather [hbm4b:s3+s14], $0x80, s30, s14, $0xb8;
	[tilespmem:$0x1C800] =	vst v63  }
0xa9: {  	_ = 	snop  }
0xaa: {  	[tilespmem:s15], [sflag:$0x1] =	stream.indirect.gather [hbm4b:s3+s14], $0x80, s31, s14, $0xb8;
	[tilespmem:$0x1C800] =	vst v63  }
0xab: {  	_ =	swait.ge [sflag:s10], $0x3800  }
0xac: {  	[sflag:s10] =	ssyncset.done $0x0  }
0xad: {  	s0 =	rddreg [dreg:$0x4];
	[sflag:s10] =	ssyncadd.s32 $0xFFFFC800  }
0xae: {  	[hbm4b:s0+s2] =	stream.linear.scatter [tilespmem:s13], [sflag:$0x2], $0x3800, $0x38;
	[tilespmem:$0x1C800] =	vst v63  }
0xaf: {  	_ =	swait.ge [sflag:s4], $0x3800  }
0xb0: {  	[sflag:s4] =	ssyncset.done $0x0  }
0xb1: {  	[sflag:s4] =	ssyncadd.s32 $0xFFFFC800  }
0xb2: {  	[tilespmem:s13], [sflag:$0x1] =	stream.indirect.gather [hbm4b:s3+s14], $0x80, s29, s14, $0xb8;
	[tilespmem:$0x1C800] =	vst v63  }
0xb3: {  	_ =	swait.ge [sflag:s10], $0x3800  }
0xb4: {  	[sflag:s10] =	ssyncset.done $0x0  }
0xb5: {  	s0 =	rddreg [dreg:$0x5];
	[sflag:s10] =	ssyncadd.s32 $0xFFFFC800  }
0xb6: {  	[hbm4b:s0+s2] =	stream.linear.scatter [tilespmem:s12], [sflag:$0x2], $0x3800, $0x38;
	[tilespmem:$0x1C800] =	vst v63  }
0xb7: {  	_ =	swait.ge [sflag:s4], $0x3800  }
0xb8: {  	[sflag:s4] =	ssyncset.done $0x0  }
0xb9: {  	[sflag:s4] =	ssyncadd.s32 $0xFFFFC800  }
0xba: {  	[tilespmem:s12], [sflag:$0x1] =	stream.indirect.gather [hbm4b:s3+s14], $0x80, s21, s14, $0xb8;
	[tilespmem:$0x1C800] =	vst v63  }
0xbb: {  	_ =	swait.ge [sflag:s10], $0x3800  }
0xbc: {  	[sflag:s10] =	ssyncset.done $0x0  }
0xbd: {  	s0 =	rddreg [dreg:$0x6];
	[sflag:s10] =	ssyncadd.s32 $0xFFFFC800  }
0xbe: {  	[hbm4b:s0+s2] =	stream.linear.scatter [tilespmem:s11], [sflag:$0x2], $0x3800, $0x38;
	[tilespmem:$0x1C800] =	vst v63  }
0xbf: {  	_ =	swait.ge [sflag:s4], $0x3800  }
0xc0: {  	[sflag:s4] =	ssyncset.done $0x0  }
0xc1: {  	[sflag:s4] =	ssyncadd.s32 $0xFFFFC800  }
0xc2: {  	[tilespmem:s11], [sflag:$0x1] =	stream.indirect.gather [hbm4b:s3+s14], $0x80, s20, s14, $0xb8;
	[tilespmem:$0x1C800] =	vst v63  }
0xc3: {  	_ =	swait.ge [sflag:s10], $0x3800  }
0xc4: {  	[sflag:s10] =	ssyncset.done $0x0  }
0xc5: {  	s0 =	rddreg [dreg:$0x7];
	[sflag:s10] =	ssyncadd.s32 $0xFFFFC800  }
0xc6: {  	[hbm4b:s0+s2] =	stream.linear.scatter [tilespmem:s9], [sflag:$0x2], $0x3800, $0x38;
	[tilespmem:$0x1C800] =	vst v63  }
0xc7: {  	_ =	swait.ge [sflag:s4], $0x3800  }
0xc8: {  	[sflag:s4] =	ssyncset.done $0x0  }
0xc9: {  	[sflag:s4] =	ssyncadd.s32 $0xFFFFC800  }
0xca: {  	[tilespmem:s9], [sflag:$0x1] =	stream.indirect.gather [hbm4b:s3+s14], $0x80, s19, s14, $0xb8;
	[tilespmem:$0x1C800] =	vst v63  }
0xcb: {  	_ =	swait.ge [sflag:s10], $0x3800  }
0xcc: {  	[sflag:s10] =	ssyncset.done $0x0  }
0xcd: {  	s0 =	rddreg [dreg:$0x8];
	[sflag:s10] =	ssyncadd.s32 $0xFFFFC800  }
0xce: {  	[hbm4b:s0+s2] =	stream.linear.scatter [tilespmem:s8], [sflag:$0x2], $0x3800, $0x38;
	[tilespmem:$0x1C800] =	vst v63  }
0xcf: {  	_ =	swait.ge [sflag:s4], $0x3800  }
0xd0: {  	[sflag:s4] =	ssyncset.done $0x0  }
0xd1: {  	[sflag:s4] =	ssyncadd.s32 $0xFFFFC800  }
0xd2: {  	[tilespmem:s8], [sflag:$0x1] =	stream.indirect.gather [hbm4b:s3+s14], $0x80, s18, s14, $0xb8;
	[tilespmem:$0x1C800] =	vst v63  }
0xd3: {  	_ =	swait.ge [sflag:s10], $0x3800  }
0xd4: {  	[sflag:s10] =	ssyncset.done $0x0  }
0xd5: {  	s0 =	rddreg [dreg:$0x9];
	[sflag:s10] =	ssyncadd.s32 $0xFFFFC800  }
0xd6: {  	[hbm4b:s0+s2] =	stream.linear.scatter [tilespmem:s7], [sflag:$0x2], $0x3800, $0x38;
	[tilespmem:$0x1C800] =	vst v63  }
0xd7: {  	_ =	swait.ge [sflag:s4], $0x3800  }
0xd8: {  	[sflag:s4] =	ssyncset.done $0x0  }
0xd9: {  	[sflag:s4] =	ssyncadd.s32 $0xFFFFC800  }
0xda: {  	[tilespmem:s7], [sflag:$0x1] =	stream.indirect.gather [hbm4b:s3+s14], $0x80, s17, s14, $0xb8;
	[tilespmem:$0x1C800] =	vst v63  }
0xdb: {  	_ =	swait.ge [sflag:s10], $0x3800  }
0xdc: {  	[sflag:s10] =	ssyncset.done $0x0  }
0xdd: {  	s0 =	rddreg [dreg:$0xa];
	[sflag:s10] =	ssyncadd.s32 $0xFFFFC800  }
0xde: {  	[hbm4b:s0+s2] =	stream.linear.scatter [tilespmem:s16], [sflag:$0x2], $0x3800, $0x38;
	[tilespmem:$0x1C800] =	vst v63  }
0xdf: {  	_ =	swait.ge [sflag:s10], $0x3800  }
0xe0: {  	[sflag:s10] =	ssyncset.done $0x0  }
0xe1: {  	s0 =	rddreg [dreg:$0xb];
	[sflag:s10] =	ssyncadd.s32 $0xFFFFC800  }
0xe2: {  	[hbm4b:s0+s2] =	stream.linear.scatter [tilespmem:s15], [sflag:$0x2], $0x3800, $0x38;
	[tilespmem:$0x1C800] =	vst v63  }
0xe3: {  	_ =	swait.ge [sflag:s10], $0x3800  }
0xe4: {  	[sflag:s10] =	ssyncset.done $0x0  }
0xe5: {  	s0 =	rddreg [dreg:$0xc];
	[sflag:s10] =	ssyncadd.s32 $0xFFFFC800  }
0xe6: {  	[hbm4b:s0+s2] =	stream.linear.scatter [tilespmem:s13], [sflag:$0x2], $0x3800, $0x38;
	[tilespmem:$0x1C800] =	vst v63  }
0xe7: {  	_ =	swait.ge [sflag:s10], $0x3800  }
0xe8: {  	[sflag:s10] =	ssyncset.done $0x0  }
0xe9: {  	s0 =	rddreg [dreg:$0xd];
	[sflag:s10] =	ssyncadd.s32 $0xFFFFC800  }
0xea: {  	[hbm4b:s0+s2] =	stream.linear.scatter [tilespmem:s12], [sflag:$0x2], $0x3800, $0x38;
	[tilespmem:$0x1C800] =	vst v63  }
0xeb: {  	_ =	swait.ge [sflag:s10], $0x3800  }
0xec: {  	[sflag:s10] =	ssyncset.done $0x0  }
0xed: {  	s0 =	rddreg [dreg:$0xe];
	[sflag:s10] =	ssyncadd.s32 $0xFFFFC800  }
0xee: {  	[hbm4b:s0+s2] =	stream.linear.scatter [tilespmem:s11], [sflag:$0x2], $0x3800, $0x38;
	[tilespmem:$0x1C800] =	vst v63  }
0xef: {  	_ =	swait.ge [sflag:s10], $0x3800  }
0xf0: {  	[sflag:s10] =	ssyncset.done $0x0  }
0xf1: {  	s0 =	rddreg [dreg:$0xf];
	[sflag:s10] =	ssyncadd.s32 $0xFFFFC800  }
0xf2: {  	[hbm4b:s0+s2] =	stream.linear.scatter [tilespmem:s9], [sflag:$0x2], $0x3800, $0x38;
	[tilespmem:$0x1C800] =	vst v63  }
0xf3: {  	_ =	swait.ge [sflag:s10], $0x3800  }
0xf4: {  	[sflag:s10] =	ssyncset.done $0x0  }
0xf5: {  	[sflag:s10] =	ssyncadd.s32 $0xFFFFC800  }
0xf6: {  	[hbm4b:s6+s2] =	stream.linear.scatter [tilespmem:s8], [sflag:$0x2], $0x3800, $0x38;
	[tilespmem:$0x1C800] =	vst v63  }
0xf7: {  	_ =	swait.ge [sflag:s10], $0x3800  }
0xf8: {  	[sflag:s10] =	ssyncset.done $0x0  }
0xf9: {  	[sflag:s10] =	ssyncadd.s32 $0xFFFFC800  }
0xfa: {  	[hbm4b:s5+s2] =	stream.linear.scatter [tilespmem:s7], [sflag:$0x2], $0x3800, $0x38;
	[tilespmem:$0x1C800] =	vst v63  }
0xfb: {  	_ =	swait.ge [sflag:s4], $0x3800  }
0xfc: {  	[sflag:s4] =	ssyncset.done $0x0  }
0xfd: {  	[sflag:s4] =	ssyncadd.s32 $0xFFFFC800  }
0xfe: {  	_ =	swait.ge [sflag:s4], $0x3800  }
0xff: {  	[sflag:s4] =	ssyncset.done $0x0  }
0x100: {  	[sflag:s4] =	ssyncadd.s32 $0xFFFFC800  }
0x101: {  	_ =	swait.ge [sflag:s4], $0x3800  }
0x102: {  	[sflag:s4] =	ssyncset.done $0x0  }
0x103: {  	[sflag:s4] =	ssyncadd.s32 $0xFFFFC800  }
0x104: {  	_ =	swait.ge [sflag:s4], $0x3800  }
0x105: {  	[sflag:s4] =	ssyncset.done $0x0  }
0x106: {  	[sflag:s4] =	ssyncadd.s32 $0xFFFFC800  }
0x107: {  	_ =	swait.ge [sflag:s4], $0x3800  }
0x108: {  	[sflag:s4] =	ssyncset.done $0x0  }
0x109: {  	[sflag:s4] =	ssyncadd.s32 $0xFFFFC800  }
0x10a: {  	_ =	swait.ge [sflag:s4], $0x3800  }
0x10b: {  	[sflag:s4] =	ssyncset.done $0x0  }
0x10c: {  	p1 =	sne.s32 s1, $0x1;
	[sflag:s4] =	ssyncadd.s32 $0xFFFFC800  }
.Ltmp2:
0x10d: {  	_ =	swait.ge [sflag:s4], $0x3800;
	(pc) =	sbr.rel @p1 .LBB2_2-.Ltmp2, $4  }
0x10e: {  	[sflag:s4] =	ssyncset.done $0x0  }
0x10f: {  	[sflag:s4] =	ssyncadd.s32 $0xFFFFC800  }
0x110: {  	_ =	swait.ge [sflag:s4], $0x3800  }
0x111: {  	s1 =	sadd.s32 $0xFFFFFFFF, s1;
	s0 =	rddreg [dreg:$0x3];
	[sflag:s4] =	ssyncset.done $0x0  }
.LBB2_3:
0x112: {  	[sflag:s4] =	ssyncadd.s32 @p0 $0xFFFFC800  }
0x113: {  	[tilespmem:s2], [sflag:$0x3] =	stream.linear.gather [hbm4b:s0+s2], $0x700, $0x38;
	[tilespmem:$0x1C800] =	vst v63  }
0x114: {  	_ =	swait.ge [sflag:s22], $0x700  }
0x115: {  	[sflag:s22] =	ssyncset.done $0x0  }
0x116: {  	[sflag:s22] =	ssyncadd.s32 $0xFFFFF900  }
0x117: {  	[tilespmem:s13], [sflag:$0x1] =	stream.indirect.gather [hbm4b:s3+s14], $0x80, s2, s14, $0xb8;
	[tilespmem:$0x1C800] =	vst v63  }
0x118: {  	_ = 	snop  }
0x119: {  	[tilespmem:s12], [sflag:$0x1] =	stream.indirect.gather [hbm4b:s3+s14], $0x80, s23, s14, $0xb8;
	[tilespmem:$0x1C800] =	vst v63  }
0x11a: {  	_ = 	snop  }
0x11b: {  	[tilespmem:s11], [sflag:$0x1] =	stream.indirect.gather [hbm4b:s3+s14], $0x80, s24, s14, $0xb8;
	[tilespmem:$0x1C800] =	vst v63  }
0x11c: {  	_ = 	snop  }
0x11d: {  	[tilespmem:s9], [sflag:$0x1] =	stream.indirect.gather [hbm4b:s3+s14], $0x80, s25, s14, $0xb8;
	[tilespmem:$0x1C800] =	vst v63  }
0x11e: {  	_ = 	snop  }
0x11f: {  	[tilespmem:s8], [sflag:$0x1] =	stream.indirect.gather [hbm4b:s3+s14], $0x80, s26, s14, $0xb8;
	[tilespmem:$0x1C800] =	vst v63  }
0x120: {  	_ = 	snop  }
0x121: {  	[tilespmem:s7], [sflag:$0x1] =	stream.indirect.gather [hbm4b:s3+s14], $0x80, s28, s14, $0xb8;
	[tilespmem:$0x1C800] =	vst v63  }
0x122: {  	_ = 	snop  }
0x123: {  	[tilespmem:s16], [sflag:$0x1] =	stream.indirect.gather [hbm4b:s3+s14], $0x80, s30, s14, $0xb8;
	[tilespmem:$0x1C800] =	vst v63  }
0x124: {  	_ = 	snop  }
0x125: {  	[tilespmem:s15], [sflag:$0x1] =	stream.indirect.gather [hbm4b:s3+s14], $0x80, s31, s14, $0xb8;
	[tilespmem:$0x1C800] =	vst v63  }
0x126: {  	_ =	swait.ge [sflag:s10], $0x3800  }
0x127: {  	[sflag:s10] =	ssyncset.done $0x0  }
0x128: {  	s30 =	rddreg [dreg:$0x4];
	[sflag:s10] =	ssyncadd.s32 $0xFFFFC800  }
0x129: {  	[hbm4b:s30+s2] =	stream.linear.scatter [tilespmem:s13], [sflag:$0x2], $0x3800, $0x38;
	[tilespmem:$0x1C800] =	vst v63  }
0x12a: {  	_ =	swait.ge [sflag:s4], $0x3800  }
0x12b: {  	[sflag:s4] =	ssyncset.done $0x0  }
0x12c: {  	[sflag:s4] =	ssyncadd.s32 $0xFFFFC800  }
0x12d: {  	[tilespmem:s13], [sflag:$0x1] =	stream.indirect.gather [hbm4b:s3+s14], $0x80, s29, s14, $0xb8;
	[tilespmem:$0x1C800] =	vst v63  }
0x12e: {  	_ =	swait.ge [sflag:s10], $0x3800  }
0x12f: {  	[sflag:s10] =	ssyncset.done $0x0  }
0x130: {  	s31 =	rddreg [dreg:$0x5];
	[sflag:s10] =	ssyncadd.s32 $0xFFFFC800  }
0x131: {  	[hbm4b:s31+s2] =	stream.linear.scatter [tilespmem:s12], [sflag:$0x2], $0x3800, $0x38;
	[tilespmem:$0x1C800] =	vst v63  }
0x132: {  	_ =	swait.ge [sflag:s4], $0x3800  }
0x133: {  	[sflag:s4] =	ssyncset.done $0x0  }
0x134: {  	[sflag:s4] =	ssyncadd.s32 $0xFFFFC800  }
0x135: {  	[tilespmem:s12], [sflag:$0x1] =	stream.indirect.gather [hbm4b:s3+s14], $0x80, s21, s14, $0xb8;
	[tilespmem:$0x1C800] =	vst v63  }
0x136: {  	_ =	swait.ge [sflag:s10], $0x3800  }
0x137: {  	[sflag:s10] =	ssyncset.done $0x0  }
0x138: {  	s1 =	rddreg [dreg:$0x6];
	[sflag:s10] =	ssyncadd.s32 $0xFFFFC800  }
0x139: {  	[hbm4b:s1+s2] =	stream.linear.scatter [tilespmem:s11], [sflag:$0x2], $0x3800, $0x38;
	[tilespmem:$0x1C800] =	vst v63  }
0x13a: {  	_ =	swait.ge [sflag:s4], $0x3800  }
0x13b: {  	[sflag:s4] =	ssyncset.done $0x0  }
0x13c: {  	[sflag:s4] =	ssyncadd.s32 $0xFFFFC800  }
0x13d: {  	[tilespmem:s11], [sflag:$0x1] =	stream.indirect.gather [hbm4b:s3+s14], $0x80, s20, s14, $0xb8;
	[tilespmem:$0x1C800] =	vst v63  }
0x13e: {  	_ =	swait.ge [sflag:s10], $0x3800  }
0x13f: {  	[sflag:s10] =	ssyncset.done $0x0  }
0x140: {  	s21 =	rddreg [dreg:$0x7];
	[sflag:s10] =	ssyncadd.s32 $0xFFFFC800  }
0x141: {  	[hbm4b:s21+s2] =	stream.linear.scatter [tilespmem:s9], [sflag:$0x2], $0x3800, $0x38;
	[tilespmem:$0x1C800] =	vst v63  }
0x142: {  	_ =	swait.ge [sflag:s4], $0x3800  }
0x143: {  	[sflag:s4] =	ssyncset.done $0x0  }
0x144: {  	[sflag:s4] =	ssyncadd.s32 $0xFFFFC800  }
0x145: {  	[tilespmem:s9], [sflag:$0x1] =	stream.indirect.gather [hbm4b:s3+s14], $0x80, s19, s14, $0xb8;
	[tilespmem:$0x1C800] =	vst v63  }
0x146: {  	_ =	swait.ge [sflag:s10], $0x3800  }
0x147: {  	[sflag:s10] =	ssyncset.done $0x0  }
0x148: {  	s22 =	rddreg [dreg:$0x8];
	[sflag:s10] =	ssyncadd.s32 $0xFFFFC800  }
0x149: {  	[hbm4b:s22+s2] =	stream.linear.scatter [tilespmem:s8], [sflag:$0x2], $0x3800, $0x38;
	[tilespmem:$0x1C800] =	vst v63  }
0x14a: {  	_ =	swait.ge [sflag:s4], $0x3800  }
0x14b: {  	[sflag:s4] =	ssyncset.done $0x0  }
0x14c: {  	[sflag:s4] =	ssyncadd.s32 $0xFFFFC800  }
0x14d: {  	[tilespmem:s8], [sflag:$0x1] =	stream.indirect.gather [hbm4b:s3+s14], $0x80, s18, s14, $0xb8;
	[tilespmem:$0x1C800] =	vst v63  }
0x14e: {  	_ =	swait.ge [sflag:s10], $0x3800  }
0x14f: {  	[sflag:s10] =	ssyncset.done $0x0  }
0x150: {  	s23 =	rddreg [dreg:$0x9];
	[sflag:s10] =	ssyncadd.s32 $0xFFFFC800  }
0x151: {  	[hbm4b:s23+s2] =	stream.linear.scatter [tilespmem:s7], [sflag:$0x2], $0x3800, $0x38;
	[tilespmem:$0x1C800] =	vst v63  }
0x152: {  	_ =	swait.ge [sflag:s4], $0x3800  }
0x153: {  	[sflag:s4] =	ssyncset.done $0x0  }
0x154: {  	[sflag:s4] =	ssyncadd.s32 $0xFFFFC800  }
0x155: {  	[tilespmem:s7], [sflag:$0x1] =	stream.indirect.gather [hbm4b:s3+s14], $0x80, s17, s14, $0xb8;
	[tilespmem:$0x1C800] =	vst v63  }
0x156: {  	_ =	swait.ge [sflag:s10], $0x3800  }
0x157: {  	[sflag:s10] =	ssyncset.done $0x0  }
0x158: {  	s24 =	rddreg [dreg:$0xa];
	[sflag:s10] =	ssyncadd.s32 $0xFFFFC800  }
0x159: {  	[hbm4b:s24+s2] =	stream.linear.scatter [tilespmem:s16], [sflag:$0x2], $0x3800, $0x38;
	[tilespmem:$0x1C800] =	vst v63  }
0x15a: {  	_ =	swait.ge [sflag:s10], $0x3800  }
0x15b: {  	[sflag:s10] =	ssyncset.done $0x0  }
0x15c: {  	s25 =	rddreg [dreg:$0xb];
	[sflag:s10] =	ssyncadd.s32 $0xFFFFC800  }
0x15d: {  	[hbm4b:s25+s2] =	stream.linear.scatter [tilespmem:s15], [sflag:$0x2], $0x3800, $0x38;
	[tilespmem:$0x1C800] =	vst v63  }
0x15e: {  	_ =	swait.ge [sflag:s10], $0x3800  }
0x15f: {  	[sflag:s10] =	ssyncset.done $0x0  }
0x160: {  	s26 =	rddreg [dreg:$0xc];
	[sflag:s10] =	ssyncadd.s32 $0xFFFFC800  }
0x161: {  	[hbm4b:s26+s2] =	stream.linear.scatter [tilespmem:s13], [sflag:$0x2], $0x3800, $0x38;
	[tilespmem:$0x1C800] =	vst v63  }
0x162: {  	_ =	swait.ge [sflag:s10], $0x3800  }
0x163: {  	[sflag:s10] =	ssyncset.done $0x0  }
0x164: {  	s28 =	rddreg [dreg:$0xd];
	[sflag:s10] =	ssyncadd.s32 $0xFFFFC800  }
0x165: {  	[hbm4b:s28+s2] =	stream.linear.scatter [tilespmem:s12], [sflag:$0x2], $0x3800, $0x38;
	[tilespmem:$0x1C800] =	vst v63  }
0x166: {  	_ =	swait.ge [sflag:s10], $0x3800  }
0x167: {  	[sflag:s10] =	ssyncset.done $0x0  }
0x168: {  	s29 =	rddreg [dreg:$0xe];
	[sflag:s10] =	ssyncadd.s32 $0xFFFFC800  }
0x169: {  	[hbm4b:s29+s2] =	stream.linear.scatter [tilespmem:s11], [sflag:$0x2], $0x3800, $0x38;
	[tilespmem:$0x1C800] =	vst v63  }
0x16a: {  	_ =	swait.ge [sflag:s10], $0x3800  }
0x16b: {  	[sflag:s10] =	ssyncset.done $0x0  }
0x16c: {  	s30 =	rddreg [dreg:$0xf];
	[sflag:s10] =	ssyncadd.s32 $0xFFFFC800  }
0x16d: {  	[hbm4b:s30+s2] =	stream.linear.scatter [tilespmem:s9], [sflag:$0x2], $0x3800, $0x38;
	[tilespmem:$0x1C800] =	vst v63  }
0x16e: {  	_ =	swait.ge [sflag:s10], $0x3800  }
0x16f: {  	[sflag:s10] =	ssyncset.done $0x0  }
0x170: {  	[sflag:s10] =	ssyncadd.s32 $0xFFFFC800  }
0x171: {  	[hbm4b:s6+s2] =	stream.linear.scatter [tilespmem:s8], [sflag:$0x2], $0x3800, $0x38;
	[tilespmem:$0x1C800] =	vst v63  }
0x172: {  	_ =	swait.ge [sflag:s10], $0x3800  }
0x173: {  	[sflag:s10] =	ssyncset.done $0x0  }
0x174: {  	[sflag:s10] =	ssyncadd.s32 $0xFFFFC800  }
0x175: {  	[hbm4b:s5+s2] =	stream.linear.scatter [tilespmem:s7], [sflag:$0x2], $0x3800, $0x38;
	[tilespmem:$0x1C800] =	vst v63  }
0x176: {  	_ =	swait.ge [sflag:s4], $0x3800  }
0x177: {  	[sflag:s4] =	ssyncset.done $0x0  }
0x178: {  	[sflag:s4] =	ssyncadd.s32 $0xFFFFC800  }
0x179: {  	_ =	swait.ge [sflag:s4], $0x3800  }
0x17a: {  	[sflag:s4] =	ssyncset.done $0x0  }
0x17b: {  	[sflag:s4] =	ssyncadd.s32 $0xFFFFC800  }
0x17c: {  	_ =	swait.ge [sflag:s4], $0x3800  }
0x17d: {  	[sflag:s4] =	ssyncset.done $0x0  }
0x17e: {  	[sflag:s4] =	ssyncadd.s32 $0xFFFFC800  }
0x17f: {  	_ =	swait.ge [sflag:s4], $0x3800  }
0x180: {  	[sflag:s4] =	ssyncset.done $0x0  }
0x181: {  	[sflag:s4] =	ssyncadd.s32 $0xFFFFC800  }
0x182: {  	_ =	swait.ge [sflag:s4], $0x3800  }
0x183: {  	[sflag:s4] =	ssyncset.done $0x0  }
0x184: {  	[sflag:s4] =	ssyncadd.s32 $0xFFFFC800  }
0x185: {  	_ =	swait.ge [sflag:s4], $0x3800  }
0x186: {  	[sflag:s4] =	ssyncset.done $0x0  }
0x187: {  	[sflag:s4] =	ssyncadd.s32 $0xFFFFC800  }
0x188: {  	_ =	swait.ge [sflag:s4], $0x3800  }
0x189: {  	[sflag:s4] =	ssyncset.done $0x0  }
0x18a: {  	[sflag:s4] =	ssyncadd.s32 $0xFFFFC800  }
0x18b: {  	_ =	swait.ge [sflag:s4], $0x3800  }
0x18c: {  	[sflag:s4] =	ssyncset.done $0x0  }
0x18d: {  	[sflag:s4] =	ssyncadd.s32 $0xFFFFC800  }
0x18e: {  	_ =	sfence.sel $0x180000  }
0x18f: {  	[bflag:$0x0] =	sbarrier.arrive $0xFFFF  }
0x190: {  	_ =	strace $0x9000004A  }
0x191: {  	s31 =	stileid.u32;
	[bflag:$0x2] =	sbarrier.arrive $0xFFFF  }
0x192: {  	p0 =	sne.s32 s31, $0x0;
	s0 =	rddreg [dreg:$0x2]  }
0x193: {  	s0 =	sadd.s32 @!p0 $0x100000, s0  }
0x194: {  	[sflag:s0] =	ssyncadd.tile.s32 @!p0 $0x1;
	_ =	shalt  }
.Lfunc_end2:
_tile_overlayer_lowered:
.L_overlay_start_2:
0x195: {  	(tag) =	ssettag $0x2  }
0x196: {  	s0 =	rddreg [dreg:$0x0];
	s2 =	stileid.u32  }
0x197: {  	s1 =	rddreg [dreg:$0x1];
	p0 =	sne.s32 s2, $0x0  }
0x198: {  	s3 =	rddreg [dreg:$0x2];
	[bflag:$0x3] =	sbarrier.arrive $0xFFFF;
	s2 =	simm.s32 @!p0 $0x1C03  }
0x199: {  	[timem:s3], [sflag:s2] =	dma.local @!p0 [hbm:s0], s1  }
0x19a: {  	s0 =	simm.s32 @!p0 $0x3  }
0x19b: {  	_ =	swait.ge @!p0 [sflag:s0], s1  }
0x19c: {  	s1 =	ssub.s32 @!p0 $0x0, s1;
	[sflag:s0] =	ssyncset.done @!p0 $0x0  }
0x19d: {  	[sflag:s0] =	ssyncadd.s32 @!p0 s1  }
0x19e: {  	[bflag:$0x3] =	sbarrier.arrive $0xFFFF  }
0x19f: {  	_ =	shalt  }

// kernel: kernel.9.cloned.1.call-start
scs
__scs_entry_jumppad:
0x0: {  	(pc) =	sbr.rel $0x88, $3  }
0x1: {  	(tag) =	ssettag $0x0;
	lr =	simm.s32 $0x1  }
0x2: {  	[smem:$0x3F97] =	sst lr;
	_ =	strace $0xD0000000  }
0x3: {  	_ = 	snop  }
0x4: {  	_ = 	snop  }
0x5: {  	_ = 	snop  }
0x6: {  	_ = 	snop  }
0x7: {  	_ = 	snop  }
__scs_overlays_trampoline_lowered:
0x8: {  	[smem:$0x3FA6] =	sst s0  }
0x9: {  	[smem:$0x3FA7] =	sst s1  }
0xa: {  	[smem:$0x3FA8] =	sst s2  }
0xb: {  	[smem:$0x3FA9] =	sst s3  }
0xc: {  	[smem:$0x3FAA] =	sst s4  }
0xd: {  	[smem:$0x3FAB] =	sst s5  }
0xe: {  	[smem:$0x3FAC] =	sst s6  }
0xf: {  	[smem:$0x3FAD] =	sst s7  }
0x10: {  	[smem:$0x3FAE] =	sst s8  }
0x11: {  	[smem:$0x3FAF] =	sst s9;
	s0 =	simm.s32 @!p0 $0x0  }
0x12: {  	s1 =	sld [smem:$0x3F95];
	s0 =	simm.s32 @p0 $0x1  }
0x13: {  	[smem:$0x3FB0] =	sst s0;
	s0 =	simm.s32 @!p1 $0x0  }
0x14: {  	s2 =	sld [smem:$0x3F94];
	s0 =	simm.s32 @p1 $0x1  }
0x15: {  	[smem:$0x3FB1] =	sst s0;
	s0 =	simm.s32 @!p2 $0x0  }
0x16: {  	s3 =	sld [smem:$0x3FDB];
	s0 =	simm.s32 @p2 $0x1  }
0x17: {  	s4 =	simm.s32 $0x1BF5;
	[smem:$0x3FB3] =	sst s0  }
0x18: {  	s0 =	sld [smem:$0x3F96];
	_ =	swait.ge [sflag:s4], $0x0  }
0x19: {  	s7 =	sld [smem:$0x3F97]  }
0x1a: {  	s8 =	sadd.s32 $0xFFFFE003, lr  }
0x1b: {  	s9 =	sadd.s32 $0xFFFFFEF7, lr;
	s5 =	simm.s32 $0xFFFFFFFF;
	p2 =	slt.u32 s8, $0xFFFFF086  }
0x1c: {  	p1 =	slt.u32 s9, $0xF7A;
	s5 =	simm.s32 @!p2 $0x0  }
0x1d: {  	s5 =	simm.s32 @p1 $0x1;
	p0 =	seq.s32 s7, s2  }
0x1e: {  	s7 =	smul.u32 @!p0 $0xF7A, s2;
	p2 =	seq.s32 @!p0 s5, $0x0  }
0x1f: {  	s9 =	smul.u32 $0xF7A, s1;
	s8 =	simm.s32 @!p0 $0x1BF5;
	p2 =	por !p2, p0  }
0x20: {  	[sflag:s8] =	ssyncset.s32 @!p0 $0xFFFFF086;
	s6 =	sadd.s32 @!p0 s3, s7;
	s7 =	simm.s32 @!p0 $0x108  }
0x21: {  	s3 =	sadd.s32 s3, s9;
	s6 =	sadd.s32 @!p0 $0x88, s6;
	s7 =	simm.s32 @p2 $0x1082  }
0x22: {  	[simem:s7], [sflag:s8] =	dma.local @!p0 [hbm:s6], $0xF7A  }
0x23: {  	s9 =	sor.u32 $0xD0000000, s2;
	s6 =	simm.s32 $0x108;
	_ =	swait.ge @!p0 [sflag:s8], $0x0  }
0x24: {  	s3 =	sadd.s32 $0x88, s3;
	s6 =	simm.s32 @!p1 $0x1082;
	[sflag:s4] =	ssyncset.s32 $0xFFFFF086  }
0x25: {  	[simem:s6], [sflag:s4] =	dma.local [hbm:s3], $0xF7A  }
0x26: {  	[smem:$0x3F97] =	sst s1;
	(tag) =	ssettag s2;
	_ =	strace s9  }
0x27: {  	s1 =	sld [smem:$0x3FA7]  }
0x28: {  	s2 =	sld [smem:$0x3FA8]  }
0x29: {  	s4 =	sld [smem:$0x3FAA]  }
0x2a: {  	p0 =	seq.s32 s5, $0x0;
	s5 =	sld [smem:$0x3FAB]  }
0x2b: {  	s6 =	sld [smem:$0x3FAC]  }
0x2c: {  	s7 =	sld [smem:$0x3FAD]  }
0x2d: {  	s3 =	simm.s32 $0x108;
	s8 =	sld [smem:$0x3FAE]  }
0x2e: {  	s3 =	simm.s32 @!p0 $0x1082;
	s9 =	sld [smem:$0x3FAF]  }
0x2f: {  	lr =	sadd.s32 s0, s3;
	s0 =	sld [smem:$0x3FA6]  }
0x30: {  	s3 =	sld [smem:$0x3FA9]  }
0x31: {  	[smem:$0x3FB2] =	sst s10  }
0x32: {  	s10 =	sld [smem:$0x3FB0];
	_ =	sdelay $0x3  }
0x33: {  	p0 =	seq.s32 s10, $0x1;
	s10 =	sld [smem:$0x3FB2];
	_ =	sdelay $0x3  }
0x34: {  	[smem:$0x3FB2] =	sst s10  }
0x35: {  	s10 =	sld [smem:$0x3FB1];
	_ =	sdelay $0x3  }
0x36: {  	p1 =	seq.s32 s10, $0x1;
	s10 =	sld [smem:$0x3FB2];
	_ =	sdelay $0x3  }
0x37: {  	[smem:$0x3FB2] =	sst s10  }
0x38: {  	s10 =	sld [smem:$0x3FB3]  }
0x39: {  	_ = 	snop;
	(pc) =	sbr.ind lr, $3  }
0x3a: {  	_ = 	snop  }
0x3b: {  	_ = 	snop  }
0x3c: {  	p2 =	seq.s32 s10, $0x1;
	s10 =	sld [smem:$0x3FB2]  }
0x3d: {  	_ =	shalt  }
0x3e: {  	_ =	shalt  }
0x3f: {  	_ =	shalt  }
0x40: {  	_ =	shalt  }
0x41: {  	_ =	shalt  }
0x42: {  	_ =	shalt  }
0x43: {  	_ =	shalt  }
0x44: {  	_ =	shalt  }
0x45: {  	_ =	shalt  }
0x46: {  	_ =	shalt  }
0x47: {  	_ =	shalt  }
0x48: {  	_ =	shalt  }
0x49: {  	_ =	shalt  }
0x4a: {  	_ =	shalt  }
0x4b: {  	_ =	shalt  }
0x4c: {  	_ =	shalt  }
0x4d: {  	_ =	shalt  }
0x4e: {  	_ =	shalt  }
0x4f: {  	_ =	shalt  }
0x50: {  	_ =	shalt  }
0x51: {  	_ =	shalt  }
0x52: {  	_ =	shalt  }
0x53: {  	_ =	shalt  }
0x54: {  	_ =	shalt  }
0x55: {  	_ =	shalt  }
0x56: {  	_ =	shalt  }
0x57: {  	_ =	shalt  }
0x58: {  	_ =	shalt  }
0x59: {  	_ =	shalt  }
0x5a: {  	_ =	shalt  }
0x5b: {  	_ =	shalt  }
0x5c: {  	_ =	shalt  }
0x5d: {  	_ =	shalt  }
0x5e: {  	_ =	shalt  }
0x5f: {  	_ =	shalt  }
0x60: {  	_ =	shalt  }
0x61: {  	_ =	shalt  }
0x62: {  	_ =	shalt  }
0x63: {  	_ =	shalt  }
0x64: {  	_ =	shalt  }
0x65: {  	_ =	shalt  }
0x66: {  	_ =	shalt  }
0x67: {  	_ =	shalt  }
0x68: {  	_ =	shalt  }
0x69: {  	_ =	shalt  }
0x6a: {  	_ =	shalt  }
0x6b: {  	_ =	shalt  }
0x6c: {  	_ =	shalt  }
0x6d: {  	_ =	shalt  }
0x6e: {  	_ =	shalt  }
0x6f: {  	_ =	shalt  }
0x70: {  	_ =	shalt  }
0x71: {  	_ =	shalt  }
0x72: {  	_ =	shalt  }
0x73: {  	_ =	shalt  }
0x74: {  	_ =	shalt  }
0x75: {  	_ =	shalt  }
0x76: {  	_ =	shalt  }
0x77: {  	_ =	shalt  }
0x78: {  	_ =	shalt  }
0x79: {  	_ =	shalt  }
0x7a: {  	_ =	shalt  }
0x7b: {  	_ =	shalt  }
0x7c: {  	_ =	shalt  }
0x7d: {  	_ =	shalt  }
0x7e: {  	_ =	shalt  }
0x7f: {  	_ =	shalt  }
0x80: {  	_ =	shalt  }
0x81: {  	_ =	shalt  }
0x82: {  	_ =	shalt  }
0x83: {  	_ =	shalt  }
0x84: {  	_ =	shalt  }
0x85: {  	_ =	shalt  }
0x86: {  	_ =	shalt  }
0x87: {  	_ =	shalt  }
.Lfunc_end0:
.L_simem_size_0:
called_computation_lowered:
.L_overlay_start_0:
0x88: {  	s2 =	sld [smem:$0x3FD9]  }
0x89: {  	s3 =	sld [smem:$0x3FFE];
	_ =	sdelay $0x1  }
0x8a: {  	s1 =	srdreg.scid  }
0x8b: {  	s0 =	sand.u32 $0x1, s1  }
0x8c: {  	s17 =	sshll.u32 s0, $0xA;
	s2 =	sadd.s32 s3, s2  }
0x8d: {  	s2 =	sadd.s32 s2, s17  }
0x8e: {  	[smem:$0x3FBE] =	sst s2  }
0x8f: {  	_ = 	snop  }
0x90: {  	s2 =	sld [smem:$0x3FD0];
	(tm) =	ssettm $0x1  }
0x91: {  	s18 =	sld [smem:$0x3FFB];
	_ =	sdelay $0x3  }
0x92: {  	_ =	strace s18  }
0x93: {  	s3 =	sld [smem:$0x3FFC];
	_ =	sdelay $0x3  }
0x94: {  	_ =	strace s3  }
0x95: {  	s3 =	sld [smem:$0x3FFD];
	_ =	sdelay $0x3  }
0x96: {  	_ =	strace s3  }
0x97: {  	_ =	strace $0x8FFFFFFF  }
0x98: {  	s19 =	sld [smem:$0x3FDB];
	_ =	sdelay $0x1  }
0x99: {  	s4 =	simm.s32 $_scs_section_size  }
0x9a: {  	s5 =	simm.s32 $_size__tile_overlayer_lowered;
	s6 =	simm.s32 $_tile_overlayer_lowered  }
0x9b: {  	s22 =	simm.s32 $0x1BFF;
	s21 =	sshll.u32 s6, $0x1;
	s3 =	sadd.s32 s4, s19  }
0x9c: {  	s7 =	simm.s32 $0x0;
	s20 =	sshll.u32 s5, $0x1;
	s5 =	sadd.s32 s21, s3  }
0x9d: {  	[timem:s7], [sflag:s22] =	dma.local [hbm:s5], s20  }
0x9e: {  	_ =	swait.ge [sflag:s22], s20  }
0x9f: {  	s4 =	ssub.s32 $0x0, s20;
	[sflag:s22] =	ssyncset.done $0x0  }
0xa0: {  	[sflag:s22] =	ssyncadd.s32 s4;
	_ =	sdelay $0x1  }
0xa1: {  	s23 =	simm.s32 $0x1B8B  }
0xa2: {  	_ =	swait.ge [sflag:s23], $0x1  }
0xa3: {  	[sflag:s23] =	ssyncset.done $0x0  }
0xa4: {  	s25 =	simm.s32 $0x1B8E;
	s24 =	sld [smem:$0x3FFE];
	[sflag:s23] =	ssyncadd.s32 $0xFFFFFFFF  }
0xa5: {  	s26 =	simm.s32 $execute0_lowered;
	[smem:$0x3FD2] =	sst s25  }
0xa6: {  	s5 =	sshll.u32 s26, $0x1;
	_ =	strace $0x80000046;
	[dreg:$0x1] =	wrdreg $0xFFFFFFFF  }
0xa7: {  	s28 =	simm.s32 $_size_execute0_lowered;
	s3 =	sadd.s32 s3, s5;
	[dreg:$0x0] =	wrdreg $0x0  }
0xa8: {  	s5 =	sshll.u32 s28, $0x1;
	[dreg:$0x2] =	wrdreg s3  }
0xa9: {  	[dreg:$0x3] =	wrdreg s5  }
0xaa: {  	[dreg:$0x4] =	wrdreg $0xC0  }
0xab: {  	_ =	task [dreg:s7], $0x5FFFF  }
0xac: {  	[dreg:$0x1] =	wrdreg $0xFFFFFFFF  }
0xad: {  	[dreg:$0x0] =	wrdreg $0x60  }
0xae: {  	[dreg:$0x2] =	wrdreg s24  }
0xaf: {  	[dreg:$0x3] =	wrdreg s2  }
0xb0: {  	[dreg:$0x4] =	wrdreg $0xC8000  }
0xb1: {  	[dreg:$0x5] =	wrdreg $0x9  }
0xb2: {  	_ =	task.clear_ibuf [dreg:s7], $0x6FFFF;
	_ =	strace $0x90000046  }
0xb3: {  	s29 =	simm.s32 $0x9;
	_ =	strace $0x80000048  }
0xb4: {  	_ =	swait.ge [sflag:s29], $0x1  }
0xb5: {  	[sflag:s29] =	ssyncadd.s32 $0xFFFFFFFF  }
0xb6: {  	_ =	strace $0x90000048  }
0xb7: {  	_ =	sfence  }
0xb8: {  	s30 =	sld [smem:$0x0];
	_ =	sdelay $0x2  }
0xb9: {  	s31 =	sshll.u32 s1, $0xD;
	s1 =	sshrl.u32 s1, $0x2  }
0xba: {  	s3 =	sand.u32 $0x4000, s31;
	s1 =	sadd.s32 s1, s30  }
0xbb: {  	s0 =	sor.u32 s3, s0;
	s1 =	sshll.u32 s1, $0x11  }
0xbc: {  	s0 =	sor.u32 s1, s0  }
0xbd: {  	s0 =	sadd.s32 $0x8F2B, s0  }
0xbe: {  	[sflag:s0] =	ssyncadd.remote.s32 $0x1  }
0xbf: {  	_ =	sfence.sel $0xFFFF  }
0xc0: {  	[dreg:$0x0] =	wrdreg $0xFFFFFFFF;
	(pc) =	sbr.abs _section_cstart, $3  }
0xc1: {  	[dreg:$0x1] =	wrdreg $0xFFFFFFFF  }
0xc2: {  	_ =	task.clear_ibuf [dreg:s7], $0x2FFFF;
	_ =	strace $0x9FFFFFFF  }
0xc3: {  	(tm) =	ssettm $0x7FFFFFFF  }
tec
execute0_lowered:
.L_overlay_start_1:
0x0: {  	(tag) =	ssettag $0x1  }
0x1: {  	s8 =	rddreg [dreg:$0x0]  }
0x2: {  	s24 =	rddreg [dreg:$0x1]  }
0x3: {  	s2 =	rddreg [dreg:$0x2]  }
0x4: {  	s0 =	rddreg [dreg:$0x3];
	s1 =	stileid.u32  }
0x5: {  	s3 =	simm.s32 $0x0;
	s5 =	srdreg.scid;
	s4 =	smul.u32 $0xC80, s1  }
0x6: {  	[smem:$0x7FF] =	sst s3;
	s6 =	smul.u32 $0x19000, s1  }
0x7: {  	s25 =	sand.u32 $0x1, s5;
	s29 =	sshll.u32 s1, $0x1;
	s31 =	sshll.u32 s1, $0x6  }
0x8: {  	_ =	strace $0x80000047;
	s26 =	sor.u32 s25, s29;
	s30 =	sshrl.u32 s6, $0x2  }
0x9: {  	s5 =	sor.u32 $0x1C02, s31;
	s4 =	sadd.s32 s4, s8;
	s6 =	sadd.s32 s30, s2  }
0xa: {  	s4 =	sadd.s32 $0x3400, s4;
	s7 =	sshrl.u32 s6, $0x3;
	s6 =	simm.s32 $0x2  }
0xb: {  	[spmem:s7], [sflag:s5] =	dma.local [hbm:s4], $0xC80  }
0xc: {  	s9 =	sshll.u32 s26, $0x7;
	_ =	swait.ge [sflag:s6], $0xC80  }
0xd: {  	s8 =	sadd.s32 s9, s8;
	[sflag:s6] =	ssyncset.done $0x0  }
0xe: {  	s8 =	sadd.s32 $0x2400, s8;
	[sflag:s6] =	ssyncadd.s32 $0xFFFFF380  }
0xf: {  	[tilespmem:s3], [sflag:$0x2] =	stream.linear.gather [hbm4b:s8+s3], $0x380, $0x38;
	[tilespmem:$0x12C00] =	vst v63  }
0x10: {  	_ =	swait.ge [sflag:s6], $0x380  }
0x11: {  	[sflag:s6] =	ssyncset.done $0x0  }
0x12: {  	[sflag:s6] =	ssyncadd.s32 $0xFFFFFC80  }
0x13: {  	s10 =	simm.s32 $0x400;
	s9 =	simm.s32 $0x38;
	[bflag:$0x0] =	sbarrier.arrive $0xFFFF  }
0x14: {  	[tilespmem:s10], [sflag:$0x1] =	stream.indirect.gather [spmem:s2], $0x80, s3, s9, $0xb8;
	[tilespmem:$0x12C00] =	vst v63  }
0x15: {  	s11 =	simm.s32 $0x80;
	s12 =	simm.s32 $0x2000  }
0x16: {  	[tilespmem:s12], [sflag:$0x1] =	stream.indirect.gather [spmem:s2], $0x80, s11, s9, $0xb8;
	[tilespmem:$0x12C00] =	vst v63  }
0x17: {  	s13 =	simm.s32 $0x100;
	s14 =	simm.s32 $0x3C00  }
0x18: {  	[tilespmem:s14], [sflag:$0x1] =	stream.indirect.gather [spmem:s2], $0x80, s13, s9, $0xb8;
	[tilespmem:$0x12C00] =	vst v63  }
0x19: {  	s15 =	simm.s32 $0x180;
	s16 =	simm.s32 $0x5800  }
0x1a: {  	[tilespmem:s16], [sflag:$0x1] =	stream.indirect.gather [spmem:s2], $0x80, s15, s9, $0xb8;
	[tilespmem:$0x12C00] =	vst v63  }
0x1b: {  	s17 =	simm.s32 $0x200;
	s18 =	simm.s32 $0x7400  }
0x1c: {  	[tilespmem:s18], [sflag:$0x1] =	stream.indirect.gather [spmem:s2], $0x80, s17, s9, $0xb8;
	[tilespmem:$0x12C00] =	vst v63  }
0x1d: {  	s19 =	simm.s32 $0x280;
	s20 =	simm.s32 $0x9000  }
0x1e: {  	[tilespmem:s20], [sflag:$0x1] =	stream.indirect.gather [spmem:s2], $0x80, s19, s9, $0xb8;
	[tilespmem:$0x12C00] =	vst v63  }
0x1f: {  	s21 =	simm.s32 $0x300;
	s22 =	simm.s32 $0xAC00;
	s23 =	simm.s32 $0x1  }
0x20: {  	[tilespmem:s22], [sflag:$0x1] =	stream.indirect.gather [spmem:s2], $0x80, s21, s9, $0xb8;
	[tilespmem:$0x12C00] =	vst v63  }
0x21: {  	_ =	swait.ge [sflag:s23], $0x1C00  }
0x22: {  	[sflag:s23] =	ssyncset.done $0x0  }
0x23: {  	[sflag:s23] =	ssyncadd.s32 $0xFFFFE400  }
0x24: {  	_ =	swait.ge [sflag:s23], $0x1C00  }
0x25: {  	[sflag:s23] =	ssyncset.done $0x0  }
0x26: {  	[sflag:s23] =	ssyncadd.s32 $0xFFFFE400  }
0x27: {  	_ =	swait.ge [sflag:s23], $0x1C00  }
0x28: {  	[sflag:s23] =	ssyncset.done $0x0  }
0x29: {  	[sflag:s23] =	ssyncadd.s32 $0xFFFFE400  }
0x2a: {  	_ =	swait.ge [sflag:s23], $0x1C00  }
0x2b: {  	[sflag:s23] =	ssyncset.done $0x0  }
0x2c: {  	[sflag:s23] =	ssyncadd.s32 $0xFFFFE400  }
0x2d: {  	_ =	swait.ge [sflag:s23], $0x1C00  }
0x2e: {  	[sflag:s23] =	ssyncset.done $0x0  }
0x2f: {  	s25 =	ssub.s32 $0x2, s25;
	[sflag:s23] =	ssyncadd.s32 $0xFFFFE400  }
0x30: {  	s28 =	sshrl.u32 s25, $0x1;
	_ =	swait.ge [sflag:s23], $0x1C00  }
0x31: {  	s25 =	ssub.s32 s25, s28;
	[sflag:s23] =	ssyncset.done $0x0  }
0x32: {  	s25 =	smax.u32 s25, $0x1;
	[sflag:s23] =	ssyncadd.s32 $0xFFFFE400  }
0x33: {  	s26 =	smul.u32 $0x1880, s26;
	p0 =	sne.s32 s25, $0x1;
	_ =	swait.ge [sflag:s23], $0x1C00  }
.Ltmp0:
0x34: {  	[sflag:s23] =	ssyncset.done $0x0;
	(pc) =	sbr.rel @!p0 .LBB2_2-.Ltmp0, $4  }
0x35: {  	s24 =	sadd.s32 s24, s26;
	[sflag:s23] =	ssyncadd.s32 $0xFFFFE400  }
0x36: {  	[hbm4b:s24+s3] =	stream.linear.scatter [tilespmem:s10], [sflag:$0x2], $0xC400, $0x38;
	[tilespmem:$0x12C00] =	vst v63  }
0x37: {  	_ =	swait.ge [sflag:s6], $0xC400  }
0x38: {  	s25 =	sadd.s32 $0xFFFFFFFF, s25;
	[sflag:s6] =	ssyncset.done $0x0  }
.LBB2_1:
0x39: {  	p0 =	sne.s32 s25, $0x1;
	s25 =	sadd.s32 $0xFFFFFFFF, s25;
	[sflag:s6] =	ssyncadd.s32 $0xFFFF3C00  }
0x3a: {  	[spmem:s7], [sflag:s5] =	dma.local [hbm:s4], $0xC80  }
0x3b: {  	_ =	swait.ge [sflag:s6], $0xC80  }
0x3c: {  	[sflag:s6] =	ssyncset.done $0x0  }
0x3d: {  	[sflag:s6] =	ssyncadd.s32 $0xFFFFF380  }
0x3e: {  	[tilespmem:s3], [sflag:$0x2] =	stream.linear.gather [hbm4b:s8+s3], $0x380, $0x38;
	[tilespmem:$0x12C00] =	vst v63  }
0x3f: {  	_ =	swait.ge [sflag:s6], $0x380  }
0x40: {  	[sflag:s6] =	ssyncset.done $0x0  }
0x41: {  	[sflag:s6] =	ssyncadd.s32 $0xFFFFFC80  }
0x42: {  	[bflag:$0x0] =	sbarrier.arrive $0xFFFF  }
0x43: {  	[tilespmem:s10], [sflag:$0x1] =	stream.indirect.gather [spmem:s2], $0x80, s3, s9, $0xb8;
	[tilespmem:$0x12C00] =	vst v63  }
0x44: {  	_ = 	snop  }
0x45: {  	[tilespmem:s12], [sflag:$0x1] =	stream.indirect.gather [spmem:s2], $0x80, s11, s9, $0xb8;
	[tilespmem:$0x12C00] =	vst v63  }
0x46: {  	_ = 	snop  }
0x47: {  	[tilespmem:s14], [sflag:$0x1] =	stream.indirect.gather [spmem:s2], $0x80, s13, s9, $0xb8;
	[tilespmem:$0x12C00] =	vst v63  }
0x48: {  	_ = 	snop  }
0x49: {  	[tilespmem:s16], [sflag:$0x1] =	stream.indirect.gather [spmem:s2], $0x80, s15, s9, $0xb8;
	[tilespmem:$0x12C00] =	vst v63  }
0x4a: {  	_ = 	snop  }
0x4b: {  	[tilespmem:s18], [sflag:$0x1] =	stream.indirect.gather [spmem:s2], $0x80, s17, s9, $0xb8;
	[tilespmem:$0x12C00] =	vst v63  }
0x4c: {  	_ = 	snop  }
0x4d: {  	[tilespmem:s20], [sflag:$0x1] =	stream.indirect.gather [spmem:s2], $0x80, s19, s9, $0xb8;
	[tilespmem:$0x12C00] =	vst v63  }
0x4e: {  	_ = 	snop  }
0x4f: {  	[tilespmem:s22], [sflag:$0x1] =	stream.indirect.gather [spmem:s2], $0x80, s21, s9, $0xb8;
	[tilespmem:$0x12C00] =	vst v63  }
0x50: {  	_ =	swait.ge [sflag:s23], $0x1C00  }
0x51: {  	[sflag:s23] =	ssyncset.done $0x0  }
0x52: {  	[sflag:s23] =	ssyncadd.s32 $0xFFFFE400  }
0x53: {  	_ =	swait.ge [sflag:s23], $0x1C00  }
0x54: {  	[sflag:s23] =	ssyncset.done $0x0  }
0x55: {  	[sflag:s23] =	ssyncadd.s32 $0xFFFFE400  }
0x56: {  	_ =	swait.ge [sflag:s23], $0x1C00  }
0x57: {  	[sflag:s23] =	ssyncset.done $0x0  }
0x58: {  	[sflag:s23] =	ssyncadd.s32 $0xFFFFE400  }
0x59: {  	_ =	swait.ge [sflag:s23], $0x1C00  }
0x5a: {  	[sflag:s23] =	ssyncset.done $0x0  }
0x5b: {  	[sflag:s23] =	ssyncadd.s32 $0xFFFFE400  }
0x5c: {  	_ =	swait.ge [sflag:s23], $0x1C00  }
0x5d: {  	[sflag:s23] =	ssyncset.done $0x0  }
0x5e: {  	[sflag:s23] =	ssyncadd.s32 $0xFFFFE400  }
0x5f: {  	_ =	swait.ge [sflag:s23], $0x1C00  }
0x60: {  	[sflag:s23] =	ssyncset.done $0x0  }
0x61: {  	[sflag:s23] =	ssyncadd.s32 $0xFFFFE400  }
0x62: {  	_ =	swait.ge [sflag:s23], $0x1C00  }
.Ltmp1:
0x63: {  	[sflag:s23] =	ssyncset.done $0x0;
	(pc) =	sbr.rel @p0 .LBB2_1-.Ltmp1, $4  }
0x64: {  	[sflag:s23] =	ssyncadd.s32 $0xFFFFE400  }
0x65: {  	[hbm4b:s24+s3] =	stream.linear.scatter [tilespmem:s10], [sflag:$0x2], $0xC400, $0x38;
	[tilespmem:$0x12C00] =	vst v63  }
0x66: {  	_ =	swait.ge [sflag:s6], $0xC400  }
0x67: {  	[sflag:s6] =	ssyncset.done $0x0  }
.LBB2_2:
0x68: {  	[sflag:s6] =	ssyncadd.s32 $0xFFFF3C00  }
0x69: {  	_ =	sfence.sel $0x180000  }
0x6a: {  	[bflag:$0x0] =	sbarrier.arrive $0xFFFF  }
0x6b: {  	p0 =	sne.s32 s1, $0x0;
	_ =	strace $0x90000047  }
0x6c: {  	s0 =	sadd.s32 @!p0 $0x100000, s0;
	[bflag:$0x2] =	sbarrier.arrive $0xFFFF  }
0x6d: {  	[sflag:s0] =	ssyncadd.tile.s32 @!p0 $0x1;
	_ =	shalt  }
.Lfunc_end2:
_tile_overlayer_lowered:
.L_overlay_start_2:
0x6e: {  	(tag) =	ssettag $0x2  }
0x6f: {  	s0 =	rddreg [dreg:$0x0];
	s2 =	stileid.u32  }
0x70: {  	s1 =	rddreg [dreg:$0x1];
	p0 =	sne.s32 s2, $0x0  }
0x71: {  	s3 =	rddreg [dreg:$0x2];
	[bflag:$0x3] =	sbarrier.arrive $0xFFFF;
	s2 =	simm.s32 @!p0 $0x1C02  }
0x72: {  	[timem:s3], [sflag:s2] =	dma.local @!p0 [hbm:s0], s1  }
0x73: {  	s0 =	simm.s32 @!p0 $0x2  }
0x74: {  	_ =	swait.ge @!p0 [sflag:s0], s1  }
0x75: {  	s1 =	ssub.s32 @!p0 $0x0, s1;
	[sflag:s0] =	ssyncset.done @!p0 $0x0  }
0x76: {  	[sflag:s0] =	ssyncadd.s32 @!p0 s1  }
0x77: {  	[bflag:$0x3] =	sbarrier.arrive $0xFFFF  }
0x78: {  	_ =	shalt  }

</sc_bundles>
